<compile_context>
chip_gen: v7x
topology: tpu7x:2x2x1
jax: 0.10.2.dev20260603
libtpu: 0.0.44.dev20260713+nightly
codegen_flags: <defaults>
</compile_context>

<pallas_src>
import functools

import jax
import jax.numpy as jnp
from jax import lax
from jax.experimental import pallas as pl
from jax.experimental.pallas import tpu as pltpu
from jax.experimental.pallas import tpu_sc as plsc

D = 32
NC = 2
NS = 16
NW = NC * NS
CHUNK = 1024
IDXW = 128
NIDX = CHUNK // IDXW


@functools.lru_cache(maxsize=None)
def _make_gather(n_rows):
    per_w = n_rows // NW
    n_chunks = per_w // CHUNK
    mesh = plsc.VectorSubcoreMesh(
        core_axis_name="c", subcore_axis_name="s", num_cores=NC, num_subcores=NS
    )

    @functools.partial(
        pl.kernel,
        out_type=jax.ShapeDtypeStruct((n_rows, IDXW), jnp.float32),
        mesh=mesh,
        compiler_params=pltpu.CompilerParams(use_tc_tiling_on_sc=False),
        scratch_types=[
            pltpu.VMEM((2, NIDX, IDXW), jnp.int32),
            pltpu.VMEM((2, CHUNK, D), jnp.float32),
            pltpu.SemaphoreType.DMA,
            pltpu.SemaphoreType.DMA,
            pltpu.SemaphoreType.DMA,
        ],
    )
    def kern(idx_hbm, table_hbm, out_hbm, idx_v, rows_v, isem, gsem, osem):
        wid = lax.axis_index("s") * NC + lax.axis_index("c")
        w_base = wid * per_w

        def idx_copy(g, slot):
            return pltpu.async_copy(
                idx_hbm.at[
                    pl.ds(pl.multiple_of(w_base // IDXW + g * NIDX, 8), NIDX)
                ],
                idx_v.at[slot],
                isem,
            )

        def row_gathers(slot):
            return [
                pltpu.async_copy(
                    table_hbm.at[idx_v.at[slot, j]],
                    rows_v.at[slot, pl.ds(j * IDXW, IDXW)],
                    gsem,
                )
                for j in range(NIDX)
            ]

        idx_copy(0, 0).wait()
        for d in row_gathers(0):
            d.wait()

        @pl.loop(0, n_chunks - 1)
        def _chunk(g):
            slot = lax.rem(g, 2)
            nxt = 1 - slot
            idx_copy(g + 1, nxt).wait()
            nxt_descs = row_gathers(nxt)
            pltpu.async_copy(
                rows_v.at[slot],
                out_hbm.at[pl.ds(w_base + g * CHUNK, CHUNK), pl.ds(0, D)],
                osem,
            ).wait()
            for d in nxt_descs:
                d.wait()

        last = lax.rem(n_chunks - 1, 2)
        pltpu.async_copy(
            rows_v.at[last],
            out_hbm.at[pl.ds(w_base + (n_chunks - 1) * CHUNK, CHUNK), pl.ds(0, D)],
            osem,
        ).wait()

    return kern


def _norm_kernel(bb, l, raw_ref, rclr_ref, out_ref):
    x = raw_ref[:, :D]
    ss = jnp.sum(x * x, axis=1, keepdims=True)
    y = x * lax.rsqrt(ss)
    yt = y.reshape(bb, l, D).transpose(1, 2, 0)
    out_ref[...] = yt * rclr_ref[...][:, None, :]


@functools.lru_cache(maxsize=None)
def _make_norm(b, l, bb):
    return pl.pallas_call(
        functools.partial(_norm_kernel, bb, l),
        grid=(b // bb,),
        in_specs=[
            pl.BlockSpec((bb * l, IDXW), lambda i: (i, 0)),
            pl.BlockSpec((l, bb), lambda i: (0, i)),
        ],
        out_specs=pl.BlockSpec((l, D, bb), lambda i: (0, 0, i)),
        out_shape=jax.ShapeDtypeStruct((l, D, b), jnp.float32),
    )


def kernel(feature, rclr, table):
    b, l = feature.shape
    n = b * l
    idx = feature.reshape(n // IDXW, IDXW).astype(jnp.int32)
    raw = _make_gather(n)(idx, table.astype(jnp.float32))
    rclr_t = jnp.transpose(rclr, (1, 2, 0)).reshape(l, b)
    out_t = _make_norm(b, l, 256)(raw, rclr_t)
    return jnp.transpose(out_t, (2, 0, 1))

# --- scband reference (transcript-rebuilt; emitter-appended) ---
"""Pipeline reference for scband-feature-embedding-87814901334159 (READ-ONLY COPY).

The authoritative reference and input builder live on the scoring server;
editing this copy changes nothing except your own understanding.
"""

import jax, jax.numpy as jnp
import numpy as np

VOCAB = 1000000
EMB_DIM = 32
B = 16384
L = 50


def setup_inputs(seed: int = 0) -> dict:
    key = jax.random.key(seed)
    k1, k2, k3 = jax.random.split(key, 3)
    # feature: integer token ids (replaces StringLookup output); table has VOCAB+1 rows
    feature = jax.random.randint(k1, (B, L), 0, VOCAB + 1)
    rclr = jax.random.uniform(k2, (B, L, 1), dtype=jnp.float32)
    # embedding table, keras 'uniform' initializer defaults to U(-0.05, 0.05)
    table = jax.random.uniform(k3, (VOCAB + 1, EMB_DIM), minval=-0.05, maxval=0.05, dtype=jnp.float32)
    return {"feature": feature, "rclr": rclr, "table": table}


def reference(feature, rclr, table):
    # Embedding gather (StringLookup already folded into integer ids)
    emb = jnp.take(table, feature, axis=0)  # [B, L, EMB_DIM]
    # tf.linalg.normalize(axis=-1): L2-normalize along last axis
    norm = jnp.linalg.norm(emb, axis=-1, keepdims=True)
    emb = emb / norm
    # elementwise multiply by rclr (broadcast over embedding dim)
    out = emb * rclr
    return out

if __name__ == "__main__":
    import jax
    _d = setup_inputs()
    print(jax.jit(kernel)(*tuple(_d.values())))

</pallas_src>

<mosaic_0001>
#map = affine_map<(d0, d1) -> (0, 0)>
module attributes {stable_mosaic.version = 14 : i64} {
  func.func @kern(%arg0: i32, %arg1: i32, %arg2: memref<6400x128xi32, #tpu.memory_space<hbm>>, %arg3: memref<1000001x32xf32, #tpu.memory_space<hbm>>, %arg4: memref<819200x128xf32, #tpu.memory_space<hbm>>, %arg5: memref<2x8x128xi32, #tpu.memory_space<vmem>>, %arg6: memref<2x1024x32xf32, #tpu.memory_space<vmem>>, %arg7: memref<!tpu.dma_semaphore, #tpu.memory_space<semaphore_mem>>, %arg8: memref<!tpu.dma_semaphore, #tpu.memory_space<semaphore_mem>>, %arg9: memref<!tpu.dma_semaphore, #tpu.memory_space<semaphore_mem>>) attributes {dimension_semantics = [#tpu.dimension_semantics<core_parallel>, #tpu.dimension_semantics<subcore_parallel>], iteration_bounds = array<i64: 2, 16>, scalar_prefetch = 0 : i64, scratch_operands = 5 : i64, tpu.core_type = #tpu.core_type<sc_vector_subcore>, window_params = [{transform_indices = #map}, {transform_indices = #map}, {transform_indices = #map}]} {
    %mul3A = arith.constant 2 : i32
    %mul3A_0 = arith.muli %arg1, %mul3A : i32
    %add3A = arith.addi %mul3A_0, %arg0 : i32
    %mul3A_1 = arith.constant 25600 : i32
    %mul3A_2 = arith.muli %add3A, %mul3A_1 : i32
    %jit3A = arith.constant 128 : i32
    %div3A = arith.divsi %mul3A_2, %jit3A : i32
    %sign3A = arith.constant 0 : i32
    %sign3A_3 = arith.cmpi sgt, %mul3A_2, %sign3A : i32
    %sign3A_4 = arith.extui %sign3A_3 : i1 to i32
    %sign3A_5 = arith.constant 0 : i32
    %sign3A_6 = arith.cmpi slt, %mul3A_2, %sign3A_5 : i32
    %sign3A_7 = arith.extui %sign3A_6 : i1 to i32
    %sign3A_8 = arith.subi %sign3A_4, %sign3A_7 : i32
    %sign3A_9 = arith.constant 0 : i32
    %sign3A_10 = arith.cmpi sgt, %jit3A, %sign3A_9 : i32
    %sign3A_11 = arith.extui %sign3A_10 : i1 to i32
    %sign3A_12 = arith.constant 0 : i32
    %sign3A_13 = arith.cmpi slt, %jit3A, %sign3A_12 : i32
    %sign3A_14 = arith.extui %sign3A_13 : i1 to i32
    %sign3A_15 = arith.subi %sign3A_11, %sign3A_14 : i32
    %ne3A = arith.cmpi ne, %sign3A_8, %sign3A_15 : i32
    %rem3A = arith.remsi %mul3A_2, %jit3A : i32
    %ne3A_16 = arith.constant 0 : i32
    %ne3A_17 = arith.cmpi ne, %rem3A, %ne3A_16 : i32
    %and3A = arith.andi %ne3A, %ne3A_17 : i1
    %sub3A = arith.constant 1 : i32
    %sub3A_18 = arith.subi %div3A, %sub3A : i32
    %select_n3A = arith.select %and3A, %sub3A_18, %div3A : i32
    %add3A_19 = arith.constant 0 : i32
    %add3A_20 = arith.addi %select_n3A, %add3A_19 : i32
    %multiple_of3A = tpu.assume_multiple %add3A_20, 8 : i32
    %dma_start3A = arith.constant 0 : i32
    %dma_start3A_21 = arith.constant 0 : i32
    %dma_start3A_22 = arith.constant 0 : i32
    %dma_start3A_23 = tpu.memref_slice %arg5[%dma_start3A, %dma_start3A_21, %dma_start3A_22] : memref<2x8x128xi32, #tpu.memory_space<vmem>> -> memref<1x8x128xi32, #tpu.memory_space<vmem>>
    %dma_start3A_24 = tpu.memref_squeeze %dma_start3A_23 : memref<1x8x128xi32, #tpu.memory_space<vmem>> -> memref<8x128xi32, #tpu.memory_space<vmem>>
    %dma_start3A_25 = arith.constant 0 : i32
    %dma_start3A_26 = tpu.memref_slice %arg2[%multiple_of3A, %dma_start3A_25] : memref<6400x128xi32, #tpu.memory_space<hbm>> -> memref<8x128xi32, #tpu.memory_space<hbm>>
    %dma_start3A_27 = arith.constant 0 : i32
    %dma_start3A_28 = arith.constant 0 : i32
    %dma_start3A_29 = tpu.memref_slice %arg5[%dma_start3A, %dma_start3A_27, %dma_start3A_28] : memref<2x8x128xi32, #tpu.memory_space<vmem>> -> memref<1x8x128xi32, #tpu.memory_space<vmem>>
    %dma_start3A_30 = tpu.memref_squeeze %dma_start3A_29 : memref<1x8x128xi32, #tpu.memory_space<vmem>> -> memref<8x128xi32, #tpu.memory_space<vmem>>
    %dma_start3A_31 = arith.constant 0 : i32
    %dma_start3A_32 = tpu.memref_slice %arg2[%multiple_of3A, %dma_start3A_31] : memref<6400x128xi32, #tpu.memory_space<hbm>> -> memref<8x128xi32, #tpu.memory_space<hbm>>
    tpu.enqueue_dma source(%dma_start3A_32 : memref<8x128xi32, #tpu.memory_space<hbm>>) target(%dma_start3A_30 : memref<8x128xi32, #tpu.memory_space<vmem>>) target_semaphore(%arg7 : memref<!tpu.dma_semaphore, #tpu.memory_space<semaphore_mem>>)
    %dma_wait3A = arith.constant 0 : i32
    %dma_wait3A_33 = arith.constant 0 : i32
    %dma_wait3A_34 = arith.constant 0 : i32
    %dma_wait3A_35 = tpu.memref_slice %arg5[%dma_wait3A, %dma_wait3A_33, %dma_wait3A_34] : memref<2x8x128xi32, #tpu.memory_space<vmem>> -> memref<1x8x128xi32, #tpu.memory_space<vmem>>
    %dma_wait3A_36 = tpu.memref_squeeze %dma_wait3A_35 : memref<1x8x128xi32, #tpu.memory_space<vmem>> -> memref<8x128xi32, #tpu.memory_space<vmem>>
    %dma_wait3A_37 = arith.constant 0 : i32
    %dma_wait3A_38 = tpu.memref_slice %arg2[%multiple_of3A, %dma_wait3A_37] : memref<6400x128xi32, #tpu.memory_space<hbm>> -> memref<8x128xi32, #tpu.memory_space<hbm>>
    %dma_wait3A_39 = arith.constant 0 : i32
    %dma_wait3A_40 = arith.constant 0 : i32
    %dma_wait3A_41 = tpu.memref_slice %arg5[%dma_wait3A, %dma_wait3A_39, %dma_wait3A_40] : memref<2x8x128xi32, #tpu.memory_space<vmem>> -> memref<1x8x128xi32, #tpu.memory_space<vmem>>
    %dma_wait3A_42 = tpu.memref_squeeze %dma_wait3A_41 : memref<1x8x128xi32, #tpu.memory_space<vmem>> -> memref<8x128xi32, #tpu.memory_space<vmem>>
    %dma_wait3A_43 = arith.constant 0 : i32
    %dma_wait3A_44 = tpu.memref_slice %arg2[%multiple_of3A, %dma_wait3A_43] : memref<6400x128xi32, #tpu.memory_space<hbm>> -> memref<8x128xi32, #tpu.memory_space<hbm>>
    tpu.wait_dma2 semaphore(%arg7 : memref<!tpu.dma_semaphore, #tpu.memory_space<semaphore_mem>>) src(%dma_wait3A_44 : memref<8x128xi32, #tpu.memory_space<hbm>>) dst(%dma_wait3A_42 : memref<8x128xi32, #tpu.memory_space<vmem>>)
    %dma_start3A_45 = arith.constant 0 : i32
    %dma_start3A_46 = arith.constant 0 : i32
    %dma_start3A_47 = arith.constant 0 : i32
    %dma_start3A_48 = arith.constant 0 : i32
    %dma_start3A_49 = arith.constant 0 : i32
    %dma_start3A_50 = tpu.memref_slice %arg6[%dma_start3A_47, %dma_start3A_48, %dma_start3A_49] : memref<2x1024x32xf32, #tpu.memory_space<vmem>> -> memref<1x128x32xf32, #tpu.memory_space<vmem>>
    %dma_start3A_51 = tpu.memref_squeeze %dma_start3A_50 : memref<1x128x32xf32, #tpu.memory_space<vmem>> -> memref<128x32xf32, #tpu.memory_space<vmem>>
    %dma_start3A_52 = arith.constant 0 : i32
    %dma_start3A_53 = tpu.memref_slice %arg5[%dma_start3A_45, %dma_start3A_46, %dma_start3A_52] : memref<2x8x128xi32, #tpu.memory_space<vmem>> -> memref<1x1x128xi32, #tpu.memory_space<vmem>>
    %dma_start3A_54 = tpu.memref_squeeze %dma_start3A_53 : memref<1x1x128xi32, #tpu.memory_space<vmem>> -> memref<128xi32, #tpu.memory_space<vmem>>
    %dma_start3A_55 = arith.constant 0 : i32
    %dma_start3A_56 = arith.constant 0 : i32
    %dma_start3A_57 = tpu.memref_slice %arg3[%dma_start3A_55, %dma_start3A_56] : memref<1000001x32xf32, #tpu.memory_space<hbm>> -> memref<1000001x32xf32, #tpu.memory_space<hbm>>
    tpu.enqueue_indirect_dma source(%dma_start3A_57 : memref<1000001x32xf32, #tpu.memory_space<hbm>>) target(%dma_start3A_51 : memref<128x32xf32, #tpu.memory_space<vmem>>) offsets(%dma_start3A_54 : memref<128xi32, #tpu.memory_space<vmem>>) semaphore(%arg8 : memref<!tpu.dma_semaphore, #tpu.memory_space<semaphore_mem>>)
    %dma_start3A_58 = arith.constant 0 : i32
    %dma_start3A_59 = arith.constant 1 : i32
    %dma_start3A_60 = arith.constant 0 : i32
    %dma_start3A_61 = arith.constant 128 : i32
    %dma_start3A_62 = arith.constant 0 : i32
    %dma_start3A_63 = tpu.memref_slice %arg6[%dma_start3A_60, %dma_start3A_61, %dma_start3A_62] : memref<2x1024x32xf32, #tpu.memory_space<vmem>> -> memref<1x128x32xf32, #tpu.memory_space<vmem>>
    %dma_start3A_64 = tpu.memref_squeeze %dma_start3A_63 : memref<1x128x32xf32, #tpu.memory_space<vmem>> -> memref<128x32xf32, #tpu.memory_space<vmem>>
    %dma_start3A_65 = arith.constant 0 : i32
    %dma_start3A_66 = tpu.memref_slice %arg5[%dma_start3A_58, %dma_start3A_59, %dma_start3A_65] : memref<2x8x128xi32, #tpu.memory_space<vmem>> -> memref<1x1x128xi32, #tpu.memory_space<vmem>>
    %dma_start3A_67 = tpu.memref_squeeze %dma_start3A_66 : memref<1x1x128xi32, #tpu.memory_space<vmem>> -> memref<128xi32, #tpu.memory_space<vmem>>
    %dma_start3A_68 = arith.constant 0 : i32
    %dma_start3A_69 = arith.constant 0 : i32
    %dma_start3A_70 = tpu.memref_slice %arg3[%dma_start3A_68, %dma_start3A_69] : memref<1000001x32xf32, #tpu.memory_space<hbm>> -> memref<1000001x32xf32, #tpu.memory_space<hbm>>
    tpu.enqueue_indirect_dma source(%dma_start3A_70 : memref<1000001x32xf32, #tpu.memory_space<hbm>>) target(%dma_start3A_64 : memref<128x32xf32, #tpu.memory_space<vmem>>) offsets(%dma_start3A_67 : memref<128xi32, #tpu.memory_space<vmem>>) semaphore(%arg8 : memref<!tpu.dma_semaphore, #tpu.memory_space<semaphore_mem>>)
    %dma_start3A_71 = arith.constant 0 : i32
    %dma_start3A_72 = arith.constant 2 : i32
    %dma_start3A_73 = arith.constant 0 : i32
    %dma_start3A_74 = arith.constant 256 : i32
    %dma_start3A_75 = arith.constant 0 : i32
    %dma_start3A_76 = tpu.memref_slice %arg6[%dma_start3A_73, %dma_start3A_74, %dma_start3A_75] : memref<2x1024x32xf32, #tpu.memory_space<vmem>> -> memref<1x128x32xf32, #tpu.memory_space<vmem>>
    %dma_start3A_77 = tpu.memref_squeeze %dma_start3A_76 : memref<1x128x32xf32, #tpu.memory_space<vmem>> -> memref<128x32xf32, #tpu.memory_space<vmem>>
    %dma_start3A_78 = arith.constant 0 : i32
    %dma_start3A_79 = tpu.memref_slice %arg5[%dma_start3A_71, %dma_start3A_72, %dma_start3A_78] : memref<2x8x128xi32, #tpu.memory_space<vmem>> -> memref<1x1x128xi32, #tpu.memory_space<vmem>>
    %dma_start3A_80 = tpu.memref_squeeze %dma_start3A_79 : memref<1x1x128xi32, #tpu.memory_space<vmem>> -> memref<128xi32, #tpu.memory_space<vmem>>
    %dma_start3A_81 = arith.constant 0 : i32
    %dma_start3A_82 = arith.constant 0 : i32
    %dma_start3A_83 = tpu.memref_slice %arg3[%dma_start3A_81, %dma_start3A_82] : memref<1000001x32xf32, #tpu.memory_space<hbm>> -> memref<1000001x32xf32, #tpu.memory_space<hbm>>
    tpu.enqueue_indirect_dma source(%dma_start3A_83 : memref<1000001x32xf32, #tpu.memory_space<hbm>>) target(%dma_start3A_77 : memref<128x32xf32, #tpu.memory_space<vmem>>) offsets(%dma_start3A_80 : memref<128xi32, #tpu.memory_space<vmem>>) semaphore(%arg8 : memref<!tpu.dma_semaphore, #tpu.memory_space<semaphore_mem>>)
    %dma_start3A_84 = arith.constant 0 : i32
    %dma_start3A_85 = arith.constant 3 : i32
    %dma_start3A_86 = arith.constant 0 : i32
    %dma_start3A_87 = arith.constant 384 : i32
    %dma_start3A_88 = arith.constant 0 : i32
    %dma_start3A_89 = tpu.memref_slice %arg6[%dma_start3A_86, %dma_start3A_87, %dma_start3A_88] : memref<2x1024x32xf32, #tpu.memory_space<vmem>> -> memref<1x128x32xf32, #tpu.memory_space<vmem>>
    %dma_start3A_90 = tpu.memref_squeeze %dma_start3A_89 : memref<1x128x32xf32, #tpu.memory_space<vmem>> -> memref<128x32xf32, #tpu.memory_space<vmem>>
    %dma_start3A_91 = arith.constant 0 : i32
    %dma_start3A_92 = tpu.memref_slice %arg5[%dma_start3A_84, %dma_start3A_85, %dma_start3A_91] : memref<2x8x128xi32, #tpu.memory_space<vmem>> -> memref<1x1x128xi32, #tpu.memory_space<vmem>>
    %dma_start3A_93 = tpu.memref_squeeze %dma_start3A_92 : memref<1x1x128xi32, #tpu.memory_space<vmem>> -> memref<128xi32, #tpu.memory_space<vmem>>
    %dma_start3A_94 = arith.constant 0 : i32
    %dma_start3A_95 = arith.constant 0 : i32
    %dma_start3A_96 = tpu.memref_slice %arg3[%dma_start3A_94, %dma_start3A_95] : memref<1000001x32xf32, #tpu.memory_space<hbm>> -> memref<1000001x32xf32, #tpu.memory_space<hbm>>
    tpu.enqueue_indirect_dma source(%dma_start3A_96 : memref<1000001x32xf32, #tpu.memory_space<hbm>>) target(%dma_start3A_90 : memref<128x32xf32, #tpu.memory_space<vmem>>) offsets(%dma_start3A_93 : memref<128xi32, #tpu.memory_space<vmem>>) semaphore(%arg8 : memref<!tpu.dma_semaphore, #tpu.memory_space<semaphore_mem>>)
    %dma_start3A_97 = arith.constant 0 : i32
    %dma_start3A_98 = arith.constant 4 : i32
    %dma_start3A_99 = arith.constant 0 : i32
    %dma_start3A_100 = arith.constant 512 : i32
    %dma_start3A_101 = arith.constant 0 : i32
    %dma_start3A_102 = tpu.memref_slice %arg6[%dma_start3A_99, %dma_start3A_100, %dma_start3A_101] : memref<2x1024x32xf32, #tpu.memory_space<vmem>> -> memref<1x128x32xf32, #tpu.memory_space<vmem>>
    %dma_start3A_103 = tpu.memref_squeeze %dma_start3A_102 : memref<1x128x32xf32, #tpu.memory_space<vmem>> -> memref<128x32xf32, #tpu.memory_space<vmem>>
    %dma_start3A_104 = arith.constant 0 : i32
    %dma_start3A_105 = tpu.memref_slice %arg5[%dma_start3A_97, %dma_start3A_98, %dma_start3A_104] : memref<2x8x128xi32, #tpu.memory_space<vmem>> -> memref<1x1x128xi32, #tpu.memory_space<vmem>>
    %dma_start3A_106 = tpu.memref_squeeze %dma_start3A_105 : memref<1x1x128xi32, #tpu.memory_space<vmem>> -> memref<128xi32, #tpu.memory_space<vmem>>
    %dma_start3A_107 = arith.constant 0 : i32
    %dma_start3A_108 = arith.constant 0 : i32
    %dma_start3A_109 = tpu.memref_slice %arg3[%dma_start3A_107, %dma_start3A_108] : memref<1000001x32xf32, #tpu.memory_space<hbm>> -> memref<1000001x32xf32, #tpu.memory_space<hbm>>
    tpu.enqueue_indirect_dma source(%dma_start3A_109 : memref<1000001x32xf32, #tpu.memory_space<hbm>>) target(%dma_start3A_103 : memref<128x32xf32, #tpu.memory_space<vmem>>) offsets(%dma_start3A_106 : memref<128xi32, #tpu.memory_space<vmem>>) semaphore(%arg8 : memref<!tpu.dma_semaphore, #tpu.memory_space<semaphore_mem>>)
    %dma_start3A_110 = arith.constant 0 : i32
    %dma_start3A_111 = arith.constant 5 : i32
    %dma_start3A_112 = arith.constant 0 : i32
    %dma_start3A_113 = arith.constant 640 : i32
    %dma_start3A_114 = arith.constant 0 : i32
    %dma_start3A_115 = tpu.memref_slice %arg6[%dma_start3A_112, %dma_start3A_113, %dma_start3A_114] : memref<2x1024x32xf32, #tpu.memory_space<vmem>> -> memref<1x128x32xf32, #tpu.memory_space<vmem>>
    %dma_start3A_116 = tpu.memref_squeeze %dma_start3A_115 : memref<1x128x32xf32, #tpu.memory_space<vmem>> -> memref<128x32xf32, #tpu.memory_space<vmem>>
    %dma_start3A_117 = arith.constant 0 : i32
    %dma_start3A_118 = tpu.memref_slice %arg5[%dma_start3A_110, %dma_start3A_111, %dma_start3A_117] : memref<2x8x128xi32, #tpu.memory_space<vmem>> -> memref<1x1x128xi32, #tpu.memory_space<vmem>>
    %dma_start3A_119 = tpu.memref_squeeze %dma_start3A_118 : memref<1x1x128xi32, #tpu.memory_space<vmem>> -> memref<128xi32, #tpu.memory_space<vmem>>
    %dma_start3A_120 = arith.constant 0 : i32
    %dma_start3A_121 = arith.constant 0 : i32
    %dma_start3A_122 = tpu.memref_slice %arg3[%dma_start3A_120, %dma_start3A_121] : memref<1000001x32xf32, #tpu.memory_space<hbm>> -> memref<1000001x32xf32, #tpu.memory_space<hbm>>
    tpu.enqueue_indirect_dma source(%dma_start3A_122 : memref<1000001x32xf32, #tpu.memory_space<hbm>>) target(%dma_start3A_116 : memref<128x32xf32, #tpu.memory_space<vmem>>) offsets(%dma_start3A_119 : memref<128xi32, #tpu.memory_space<vmem>>) semaphore(%arg8 : memref<!tpu.dma_semaphore, #tpu.memory_space<semaphore_mem>>)
    %dma_start3A_123 = arith.constant 0 : i32
    %dma_start3A_124 = arith.constant 6 : i32
    %dma_start3A_125 = arith.constant 0 : i32
    %dma_start3A_126 = arith.constant 768 : i32
    %dma_start3A_127 = arith.constant 0 : i32
    %dma_start3A_128 = tpu.memref_slice %arg6[%dma_start3A_125, %dma_start3A_126, %dma_start3A_127] : memref<2x1024x32xf32, #tpu.memory_space<vmem>> -> memref<1x128x32xf32, #tpu.memory_space<vmem>>
    %dma_start3A_129 = tpu.memref_squeeze %dma_start3A_128 : memref<1x128x32xf32, #tpu.memory_space<vmem>> -> memref<128x32xf32, #tpu.memory_space<vmem>>
    %dma_start3A_130 = arith.constant 0 : i32
    %dma_start3A_131 = tpu.memref_slice %arg5[%dma_start3A_123, %dma_start3A_124, %dma_start3A_130] : memref<2x8x128xi32, #tpu.memory_space<vmem>> -> memref<1x1x128xi32, #tpu.memory_space<vmem>>
    %dma_start3A_132 = tpu.memref_squeeze %dma_start3A_131 : memref<1x1x128xi32, #tpu.memory_space<vmem>> -> memref<128xi32, #tpu.memory_space<vmem>>
    %dma_start3A_133 = arith.constant 0 : i32
    %dma_start3A_134 = arith.constant 0 : i32
    %dma_start3A_135 = tpu.memref_slice %arg3[%dma_start3A_133, %dma_start3A_134] : memref<1000001x32xf32, #tpu.memory_space<hbm>> -> memref<1000001x32xf32, #tpu.memory_space<hbm>>
    tpu.enqueue_indirect_dma source(%dma_start3A_135 : memref<1000001x32xf32, #tpu.memory_space<hbm>>) target(%dma_start3A_129 : memref<128x32xf32, #tpu.memory_space<vmem>>) offsets(%dma_start3A_132 : memref<128xi32, #tpu.memory_space<vmem>>) semaphore(%arg8 : memref<!tpu.dma_semaphore, #tpu.memory_space<semaphore_mem>>)
    %dma_start3A_136 = arith.constant 0 : i32
    %dma_start3A_137 = arith.constant 7 : i32
    %dma_start3A_138 = arith.constant 0 : i32
    %dma_start3A_139 = arith.constant 896 : i32
    %dma_start3A_140 = arith.constant 0 : i32
    %dma_start3A_141 = tpu.memref_slice %arg6[%dma_start3A_138, %dma_start3A_139, %dma_start3A_140] : memref<2x1024x32xf32, #tpu.memory_space<vmem>> -> memref<1x128x32xf32, #tpu.memory_space<vmem>>
    %dma_start3A_142 = tpu.memref_squeeze %dma_start3A_141 : memref<1x128x32xf32, #tpu.memory_space<vmem>> -> memref<128x32xf32, #tpu.memory_space<vmem>>
    %dma_start3A_143 = arith.constant 0 : i32
    %dma_start3A_144 = tpu.memref_slice %arg5[%dma_start3A_136, %dma_start3A_137, %dma_start3A_143] : memref<2x8x128xi32, #tpu.memory_space<vmem>> -> memref<1x1x128xi32, #tpu.memory_space<vmem>>
    %dma_start3A_145 = tpu.memref_squeeze %dma_start3A_144 : memref<1x1x128xi32, #tpu.memory_space<vmem>> -> memref<128xi32, #tpu.memory_space<vmem>>
    %dma_start3A_146 = arith.constant 0 : i32
    %dma_start3A_147 = arith.constant 0 : i32
    %dma_start3A_148 = tpu.memref_slice %arg3[%dma_start3A_146, %dma_start3A_147] : memref<1000001x32xf32, #tpu.memory_space<hbm>> -> memref<1000001x32xf32, #tpu.memory_space<hbm>>
    tpu.enqueue_indirect_dma source(%dma_start3A_148 : memref<1000001x32xf32, #tpu.memory_space<hbm>>) target(%dma_start3A_142 : memref<128x32xf32, #tpu.memory_space<vmem>>) offsets(%dma_start3A_145 : memref<128xi32, #tpu.memory_space<vmem>>) semaphore(%arg8 : memref<!tpu.dma_semaphore, #tpu.memory_space<semaphore_mem>>)
    %dma_wait3A_149 = arith.constant 0 : i32
    %dma_wait3A_150 = arith.constant 0 : i32
    %dma_wait3A_151 = arith.constant 0 : i32
    %dma_wait3A_152 = arith.constant 0 : i32
    %dma_wait3A_153 = arith.constant 0 : i32
    %dma_wait3A_154 = tpu.memref_slice %arg6[%dma_wait3A_151, %dma_wait3A_152, %dma_wait3A_153] : memref<2x1024x32xf32, #tpu.memory_space<vmem>> -> memref<1x128x32xf32, #tpu.memory_space<vmem>>
    %dma_wait3A_155 = tpu.memref_squeeze %dma_wait3A_154 : memref<1x128x32xf32, #tpu.memory_space<vmem>> -> memref<128x32xf32, #tpu.memory_space<vmem>>
    %dma_wait3A_156 = arith.constant 0 : i32
    %dma_wait3A_157 = tpu.memref_slice %arg5[%dma_wait3A_149, %dma_wait3A_150, %dma_wait3A_156] : memref<2x8x128xi32, #tpu.memory_space<vmem>> -> memref<1x1x128xi32, #tpu.memory_space<vmem>>
    %dma_wait3A_158 = tpu.memref_squeeze %dma_wait3A_157 : memref<1x1x128xi32, #tpu.memory_space<vmem>> -> memref<128xi32, #tpu.memory_space<vmem>>
    %dma_wait3A_159 = arith.constant 0 : i32
    %dma_wait3A_160 = arith.constant 0 : i32
    %dma_wait3A_161 = tpu.memref_slice %arg3[%dma_wait3A_159, %dma_wait3A_160] : memref<1000001x32xf32, #tpu.memory_space<hbm>> -> memref<1000001x32xf32, #tpu.memory_space<hbm>>
    tpu.wait_indirect_dma semaphore(%arg8 : memref<!tpu.dma_semaphore, #tpu.memory_space<semaphore_mem>>) src(%dma_wait3A_161 : memref<1000001x32xf32, #tpu.memory_space<hbm>>) dst(%dma_wait3A_155 : memref<128x32xf32, #tpu.memory_space<vmem>>)
    %dma_wait3A_162 = arith.constant 0 : i32
    %dma_wait3A_163 = arith.constant 1 : i32
    %dma_wait3A_164 = arith.constant 0 : i32
    %dma_wait3A_165 = arith.constant 128 : i32
    %dma_wait3A_166 = arith.constant 0 : i32
    %dma_wait3A_167 = tpu.memref_slice %arg6[%dma_wait3A_164, %dma_wait3A_165, %dma_wait3A_166] : memref<2x1024x32xf32, #tpu.memory_space<vmem>> -> memref<1x128x32xf32, #tpu.memory_space<vmem>>
    %dma_wait3A_168 = tpu.memref_squeeze %dma_wait3A_167 : memref<1x128x32xf32, #tpu.memory_space<vmem>> -> memref<128x32xf32, #tpu.memory_space<vmem>>
    %dma_wait3A_169 = arith.constant 0 : i32
    %dma_wait3A_170 = tpu.memref_slice %arg5[%dma_wait3A_162, %dma_wait3A_163, %dma_wait3A_169] : memref<2x8x128xi32, #tpu.memory_space<vmem>> -> memref<1x1x128xi32, #tpu.memory_space<vmem>>
    %dma_wait3A_171 = tpu.memref_squeeze %dma_wait3A_170 : memref<1x1x128xi32, #tpu.memory_space<vmem>> -> memref<128xi32, #tpu.memory_space<vmem>>
    %dma_wait3A_172 = arith.constant 0 : i32
    %dma_wait3A_173 = arith.constant 0 : i32
    %dma_wait3A_174 = tpu.memref_slice %arg3[%dma_wait3A_172, %dma_wait3A_173] : memref<1000001x32xf32, #tpu.memory_space<hbm>> -> memref<1000001x32xf32, #tpu.memory_space<hbm>>
    tpu.wait_indirect_dma semaphore(%arg8 : memref<!tpu.dma_semaphore, #tpu.memory_space<semaphore_mem>>) src(%dma_wait3A_174 : memref<1000001x32xf32, #tpu.memory_space<hbm>>) dst(%dma_wait3A_168 : memref<128x32xf32, #tpu.memory_space<vmem>>)
    %dma_wait3A_175 = arith.constant 0 : i32
    %dma_wait3A_176 = arith.constant 2 : i32
    %dma_wait3A_177 = arith.constant 0 : i32
    %dma_wait3A_178 = arith.constant 256 : i32
    %dma_wait3A_179 = arith.constant 0 : i32
    %dma_wait3A_180 = tpu.memref_slice %arg6[%dma_wait3A_177, %dma_wait3A_178, %dma_wait3A_179] : memref<2x1024x32xf32, #tpu.memory_space<vmem>> -> memref<1x128x32xf32, #tpu.memory_space<vmem>>
    %dma_wait3A_181 = tpu.memref_squeeze %dma_wait3A_180 : memref<1x128x32xf32, #tpu.memory_space<vmem>> -> memref<128x32xf32, #tpu.memory_space<vmem>>
    %dma_wait3A_182 = arith.constant 0 : i32
    %dma_wait3A_183 = tpu.memref_slice %arg5[%dma_wait3A_175, %dma_wait3A_176, %dma_wait3A_182] : memref<2x8x128xi32, #tpu.memory_space<vmem>> -> memref<1x1x128xi32, #tpu.memory_space<vmem>>
    %dma_wait3A_184 = tpu.memref_squeeze %dma_wait3A_183 : memref<1x1x128xi32, #tpu.memory_space<vmem>> -> memref<128xi32, #tpu.memory_space<vmem>>
    %dma_wait3A_185 = arith.constant 0 : i32
    %dma_wait3A_186 = arith.constant 0 : i32
    %dma_wait3A_187 = tpu.memref_slice %arg3[%dma_wait3A_185, %dma_wait3A_186] : memref<1000001x32xf32, #tpu.memory_space<hbm>> -> memref<1000001x32xf32, #tpu.memory_space<hbm>>
    tpu.wait_indirect_dma semaphore(%arg8 : memref<!tpu.dma_semaphore, #tpu.memory_space<semaphore_mem>>) src(%dma_wait3A_187 : memref<1000001x32xf32, #tpu.memory_space<hbm>>) dst(%dma_wait3A_181 : memref<128x32xf32, #tpu.memory_space<vmem>>)
    %dma_wait3A_188 = arith.constant 0 : i32
    %dma_wait3A_189 = arith.constant 3 : i32
    %dma_wait3A_190 = arith.constant 0 : i32
    %dma_wait3A_191 = arith.constant 384 : i32
    %dma_wait3A_192 = arith.constant 0 : i32
    %dma_wait3A_193 = tpu.memref_slice %arg6[%dma_wait3A_190, %dma_wait3A_191, %dma_wait3A_192] : memref<2x1024x32xf32, #tpu.memory_space<vmem>> -> memref<1x128x32xf32, #tpu.memory_space<vmem>>
    %dma_wait3A_194 = tpu.memref_squeeze %dma_wait3A_193 : memref<1x128x32xf32, #tpu.memory_space<vmem>> -> memref<128x32xf32, #tpu.memory_space<vmem>>
    %dma_wait3A_195 = arith.constant 0 : i32
    %dma_wait3A_196 = tpu.memref_slice %arg5[%dma_wait3A_188, %dma_wait3A_189, %dma_wait3A_195] : memref<2x8x128xi32, #tpu.memory_space<vmem>> -> memref<1x1x128xi32, #tpu.memory_space<vmem>>
    %dma_wait3A_197 = tpu.memref_squeeze %dma_wait3A_196 : memref<1x1x128xi32, #tpu.memory_space<vmem>> -> memref<128xi32, #tpu.memory_space<vmem>>
    %dma_wait3A_198 = arith.constant 0 : i32
    %dma_wait3A_199 = arith.constant 0 : i32
    %dma_wait3A_200 = tpu.memref_slice %arg3[%dma_wait3A_198, %dma_wait3A_199] : memref<1000001x32xf32, #tpu.memory_space<hbm>> -> memref<1000001x32xf32, #tpu.memory_space<hbm>>
    tpu.wait_indirect_dma semaphore(%arg8 : memref<!tpu.dma_semaphore, #tpu.memory_space<semaphore_mem>>) src(%dma_wait3A_200 : memref<1000001x32xf32, #tpu.memory_space<hbm>>) dst(%dma_wait3A_194 : memref<128x32xf32, #tpu.memory_space<vmem>>)
    %dma_wait3A_201 = arith.constant 0 : i32
    %dma_wait3A_202 = arith.constant 4 : i32
    %dma_wait3A_203 = arith.constant 0 : i32
    %dma_wait3A_204 = arith.constant 512 : i32
    %dma_wait3A_205 = arith.constant 0 : i32
    %dma_wait3A_206 = tpu.memref_slice %arg6[%dma_wait3A_203, %dma_wait3A_204, %dma_wait3A_205] : memref<2x1024x32xf32, #tpu.memory_space<vmem>> -> memref<1x128x32xf32, #tpu.memory_space<vmem>>
    %dma_wait3A_207 = tpu.memref_squeeze %dma_wait3A_206 : memref<1x128x32xf32, #tpu.memory_space<vmem>> -> memref<128x32xf32, #tpu.memory_space<vmem>>
    %dma_wait3A_208 = arith.constant 0 : i32
    %dma_wait3A_209 = tpu.memref_slice %arg5[%dma_wait3A_201, %dma_wait3A_202, %dma_wait3A_208] : memref<2x8x128xi32, #tpu.memory_space<vmem>> -> memref<1x1x128xi32, #tpu.memory_space<vmem>>
    %dma_wait3A_210 = tpu.memref_squeeze %dma_wait3A_209 : memref<1x1x128xi32, #tpu.memory_space<vmem>> -> memref<128xi32, #tpu.memory_space<vmem>>
    %dma_wait3A_211 = arith.constant 0 : i32
    %dma_wait3A_212 = arith.constant 0 : i32
    %dma_wait3A_213 = tpu.memref_slice %arg3[%dma_wait3A_211, %dma_wait3A_212] : memref<1000001x32xf32, #tpu.memory_space<hbm>> -> memref<1000001x32xf32, #tpu.memory_space<hbm>>
    tpu.wait_indirect_dma semaphore(%arg8 : memref<!tpu.dma_semaphore, #tpu.memory_space<semaphore_mem>>) src(%dma_wait3A_213 : memref<1000001x32xf32, #tpu.memory_space<hbm>>) dst(%dma_wait3A_207 : memref<128x32xf32, #tpu.memory_space<vmem>>)
    %dma_wait3A_214 = arith.constant 0 : i32
    %dma_wait3A_215 = arith.constant 5 : i32
    %dma_wait3A_216 = arith.constant 0 : i32
    %dma_wait3A_217 = arith.constant 640 : i32
    %dma_wait3A_218 = arith.constant 0 : i32
    %dma_wait3A_219 = tpu.memref_slice %arg6[%dma_wait3A_216, %dma_wait3A_217, %dma_wait3A_218] : memref<2x1024x32xf32, #tpu.memory_space<vmem>> -> memref<1x128x32xf32, #tpu.memory_space<vmem>>
    %dma_wait3A_220 = tpu.memref_squeeze %dma_wait3A_219 : memref<1x128x32xf32, #tpu.memory_space<vmem>> -> memref<128x32xf32, #tpu.memory_space<vmem>>
    %dma_wait3A_221 = arith.constant 0 : i32
    %dma_wait3A_222 = tpu.memref_slice %arg5[%dma_wait3A_214, %dma_wait3A_215, %dma_wait3A_221] : memref<2x8x128xi32, #tpu.memory_space<vmem>> -> memref<1x1x128xi32, #tpu.memory_space<vmem>>
    %dma_wait3A_223 = tpu.memref_squeeze %dma_wait3A_222 : memref<1x1x128xi32, #tpu.memory_space<vmem>> -> memref<128xi32, #tpu.memory_space<vmem>>
    %dma_wait3A_224 = arith.constant 0 : i32
    %dma_wait3A_225 = arith.constant 0 : i32
    %dma_wait3A_226 = tpu.memref_slice %arg3[%dma_wait3A_224, %dma_wait3A_225] : memref<1000001x32xf32, #tpu.memory_space<hbm>> -> memref<1000001x32xf32, #tpu.memory_space<hbm>>
    tpu.wait_indirect_dma semaphore(%arg8 : memref<!tpu.dma_semaphore, #tpu.memory_space<semaphore_mem>>) src(%dma_wait3A_226 : memref<1000001x32xf32, #tpu.memory_space<hbm>>) dst(%dma_wait3A_220 : memref<128x32xf32, #tpu.memory_space<vmem>>)
    %dma_wait3A_227 = arith.constant 0 : i32
    %dma_wait3A_228 = arith.constant 6 : i32
    %dma_wait3A_229 = arith.constant 0 : i32
    %dma_wait3A_230 = arith.constant 768 : i32
    %dma_wait3A_231 = arith.constant 0 : i32
    %dma_wait3A_232 = tpu.memref_slice %arg6[%dma_wait3A_229, %dma_wait3A_230, %dma_wait3A_231] : memref<2x1024x32xf32, #tpu.memory_space<vmem>> -> memref<1x128x32xf32, #tpu.memory_space<vmem>>
    %dma_wait3A_233 = tpu.memref_squeeze %dma_wait3A_232 : memref<1x128x32xf32, #tpu.memory_space<vmem>> -> memref<128x32xf32, #tpu.memory_space<vmem>>
    %dma_wait3A_234 = arith.constant 0 : i32
    %dma_wait3A_235 = tpu.memref_slice %arg5[%dma_wait3A_227, %dma_wait3A_228, %dma_wait3A_234] : memref<2x8x128xi32, #tpu.memory_space<vmem>> -> memref<1x1x128xi32, #tpu.memory_space<vmem>>
    %dma_wait3A_236 = tpu.memref_squeeze %dma_wait3A_235 : memref<1x1x128xi32, #tpu.memory_space<vmem>> -> memref<128xi32, #tpu.memory_space<vmem>>
    %dma_wait3A_237 = arith.constant 0 : i32
    %dma_wait3A_238 = arith.constant 0 : i32
    %dma_wait3A_239 = tpu.memref_slice %arg3[%dma_wait3A_237, %dma_wait3A_238] : memref<1000001x32xf32, #tpu.memory_space<hbm>> -> memref<1000001x32xf32, #tpu.memory_space<hbm>>
    tpu.wait_indirect_dma semaphore(%arg8 : memref<!tpu.dma_semaphore, #tpu.memory_space<semaphore_mem>>) src(%dma_wait3A_239 : memref<1000001x32xf32, #tpu.memory_space<hbm>>) dst(%dma_wait3A_233 : memref<128x32xf32, #tpu.memory_space<vmem>>)
    %dma_wait3A_240 = arith.constant 0 : i32
    %dma_wait3A_241 = arith.constant 7 : i32
    %dma_wait3A_242 = arith.constant 0 : i32
    %dma_wait3A_243 = arith.constant 896 : i32
    %dma_wait3A_244 = arith.constant 0 : i32
    %dma_wait3A_245 = tpu.memref_slice %arg6[%dma_wait3A_242, %dma_wait3A_243, %dma_wait3A_244] : memref<2x1024x32xf32, #tpu.memory_space<vmem>> -> memref<1x128x32xf32, #tpu.memory_space<vmem>>
    %dma_wait3A_246 = tpu.memref_squeeze %dma_wait3A_245 : memref<1x128x32xf32, #tpu.memory_space<vmem>> -> memref<128x32xf32, #tpu.memory_space<vmem>>
    %dma_wait3A_247 = arith.constant 0 : i32
    %dma_wait3A_248 = tpu.memref_slice %arg5[%dma_wait3A_240, %dma_wait3A_241, %dma_wait3A_247] : memref<2x8x128xi32, #tpu.memory_space<vmem>> -> memref<1x1x128xi32, #tpu.memory_space<vmem>>
    %dma_wait3A_249 = tpu.memref_squeeze %dma_wait3A_248 : memref<1x1x128xi32, #tpu.memory_space<vmem>> -> memref<128xi32, #tpu.memory_space<vmem>>
    %dma_wait3A_250 = arith.constant 0 : i32
    %dma_wait3A_251 = arith.constant 0 : i32
    %dma_wait3A_252 = tpu.memref_slice %arg3[%dma_wait3A_250, %dma_wait3A_251] : memref<1000001x32xf32, #tpu.memory_space<hbm>> -> memref<1000001x32xf32, #tpu.memory_space<hbm>>
    tpu.wait_indirect_dma semaphore(%arg8 : memref<!tpu.dma_semaphore, #tpu.memory_space<semaphore_mem>>) src(%dma_wait3A_252 : memref<1000001x32xf32, #tpu.memory_space<hbm>>) dst(%dma_wait3A_246 : memref<128x32xf32, #tpu.memory_space<vmem>>)
    %scan3A = arith.constant 0 : i32
    %scan3A_253 = arith.constant 24 : i32
    %scan3A_254 = arith.addi %scan3A, %scan3A_253 : i32
    %scan3A_255 = arith.constant 1 : i32
    scf.for %scan3A_286 = %scan3A to %scan3A_254 step %scan3A_255  : i32 {
      %mul3A_287 = arith.constant 1 : i32
      %mul3A_288 = arith.muli %scan3A_286, %mul3A_287 : i32
      %add3A_289 = arith.constant 0 : i32
      %add3A_290 = arith.addi %add3A_289, %mul3A_288 : i32
      %rem3A_291 = arith.constant 2 : i32
      %rem3A_292 = arith.remsi %add3A_290, %rem3A_291 : i32
      %sub3A_293 = arith.constant 1 : i32
      %sub3A_294 = arith.subi %sub3A_293, %rem3A_292 : i32
      %add3A_295 = arith.constant 1 : i32
      %add3A_296 = arith.addi %add3A_290, %add3A_295 : i32
      %jit3A_297 = arith.constant 128 : i32
      %div3A_298 = arith.divsi %mul3A_2, %jit3A_297 : i32
      %sign3A_299 = arith.constant 0 : i32
      %sign3A_300 = arith.cmpi sgt, %mul3A_2, %sign3A_299 : i32
      %sign3A_301 = arith.extui %sign3A_300 : i1 to i32
      %sign3A_302 = arith.constant 0 : i32
      %sign3A_303 = arith.cmpi slt, %mul3A_2, %sign3A_302 : i32
      %sign3A_304 = arith.extui %sign3A_303 : i1 to i32
      %sign3A_305 = arith.subi %sign3A_301, %sign3A_304 : i32
      %sign3A_306 = arith.constant 0 : i32
      %sign3A_307 = arith.cmpi sgt, %jit3A_297, %sign3A_306 : i32
      %sign3A_308 = arith.extui %sign3A_307 : i1 to i32
      %sign3A_309 = arith.constant 0 : i32
      %sign3A_310 = arith.cmpi slt, %jit3A_297, %sign3A_309 : i32
      %sign3A_311 = arith.extui %sign3A_310 : i1 to i32
      %sign3A_312 = arith.subi %sign3A_308, %sign3A_311 : i32
      %ne3A_313 = arith.cmpi ne, %sign3A_305, %sign3A_312 : i32
      %rem3A_314 = arith.remsi %mul3A_2, %jit3A_297 : i32
      %ne3A_315 = arith.constant 0 : i32
      %ne3A_316 = arith.cmpi ne, %rem3A_314, %ne3A_315 : i32
      %and3A_317 = arith.andi %ne3A_313, %ne3A_316 : i1
      %sub3A_318 = arith.constant 1 : i32
      %sub3A_319 = arith.subi %div3A_298, %sub3A_318 : i32
      %select_n3A_320 = arith.select %and3A_317, %sub3A_319, %div3A_298 : i32
      %mul3A_321 = arith.constant 8 : i32
      %mul3A_322 = arith.muli %add3A_296, %mul3A_321 : i32
      %add3A_323 = arith.addi %select_n3A_320, %mul3A_322 : i32
      %multiple_of3A_324 = tpu.assume_multiple %add3A_323, 8 : i32
      %dma_start3A_325 = arith.constant 0 : i32
      %dma_start3A_326 = arith.constant 0 : i32
      %dma_start3A_327 = tpu.memref_slice %arg5[%sub3A_294, %dma_start3A_325, %dma_start3A_326] : memref<2x8x128xi32, #tpu.memory_space<vmem>> -> memref<1x8x128xi32, #tpu.memory_space<vmem>>
      %dma_start3A_328 = tpu.memref_squeeze %dma_start3A_327 : memref<1x8x128xi32, #tpu.memory_space<vmem>> -> memref<8x128xi32, #tpu.memory_space<vmem>>
      %dma_start3A_329 = arith.constant 0 : i32
      %dma_start3A_330 = tpu.memref_slice %arg2[%multiple_of3A_324, %dma_start3A_329] : memref<6400x128xi32, #tpu.memory_space<hbm>> -> memref<8x128xi32, #tpu.memory_space<hbm>>
      %dma_start3A_331 = arith.constant 0 : i32
      %dma_start3A_332 = arith.constant 0 : i32
      %dma_start3A_333 = tpu.memref_slice %arg5[%sub3A_294, %dma_start3A_331, %dma_start3A_332] : memref<2x8x128xi32, #tpu.memory_space<vmem>> -> memref<1x8x128xi32, #tpu.memory_space<vmem>>
      %dma_start3A_334 = tpu.memref_squeeze %dma_start3A_333 : memref<1x8x128xi32, #tpu.memory_space<vmem>> -> memref<8x128xi32, #tpu.memory_space<vmem>>
      %dma_start3A_335 = arith.constant 0 : i32
      %dma_start3A_336 = tpu.memref_slice %arg2[%multiple_of3A_324, %dma_start3A_335] : memref<6400x128xi32, #tpu.memory_space<hbm>> -> memref<8x128xi32, #tpu.memory_space<hbm>>
      tpu.enqueue_dma source(%dma_start3A_336 : memref<8x128xi32, #tpu.memory_space<hbm>>) target(%dma_start3A_334 : memref<8x128xi32, #tpu.memory_space<vmem>>) target_semaphore(%arg7 : memref<!tpu.dma_semaphore, #tpu.memory_space<semaphore_mem>>)
      %dma_wait3A_337 = arith.constant 0 : i32
      %dma_wait3A_338 = arith.constant 0 : i32
      %dma_wait3A_339 = tpu.memref_slice %arg5[%sub3A_294, %dma_wait3A_337, %dma_wait3A_338] : memref<2x8x128xi32, #tpu.memory_space<vmem>> -> memref<1x8x128xi32, #tpu.memory_space<vmem>>
      %dma_wait3A_340 = tpu.memref_squeeze %dma_wait3A_339 : memref<1x8x128xi32, #tpu.memory_space<vmem>> -> memref<8x128xi32, #tpu.memory_space<vmem>>
      %dma_wait3A_341 = arith.constant 0 : i32
      %dma_wait3A_342 = tpu.memref_slice %arg2[%multiple_of3A_324, %dma_wait3A_341] : memref<6400x128xi32, #tpu.memory_space<hbm>> -> memref<8x128xi32, #tpu.memory_space<hbm>>
      %dma_wait3A_343 = arith.constant 0 : i32
      %dma_wait3A_344 = arith.constant 0 : i32
      %dma_wait3A_345 = tpu.memref_slice %arg5[%sub3A_294, %dma_wait3A_343, %dma_wait3A_344] : memref<2x8x128xi32, #tpu.memory_space<vmem>> -> memref<1x8x128xi32, #tpu.memory_space<vmem>>
      %dma_wait3A_346 = tpu.memref_squeeze %dma_wait3A_345 : memref<1x8x128xi32, #tpu.memory_space<vmem>> -> memref<8x128xi32, #tpu.memory_space<vmem>>
      %dma_wait3A_347 = arith.constant 0 : i32
      %dma_wait3A_348 = tpu.memref_slice %arg2[%multiple_of3A_324, %dma_wait3A_347] : memref<6400x128xi32, #tpu.memory_space<hbm>> -> memref<8x128xi32, #tpu.memory_space<hbm>>
      tpu.wait_dma2 semaphore(%arg7 : memref<!tpu.dma_semaphore, #tpu.memory_space<semaphore_mem>>) src(%dma_wait3A_348 : memref<8x128xi32, #tpu.memory_space<hbm>>) dst(%dma_wait3A_346 : memref<8x128xi32, #tpu.memory_space<vmem>>)
      %dma_start3A_349 = arith.constant 0 : i32
      %dma_start3A_350 = arith.constant 0 : i32
      %dma_start3A_351 = arith.constant 0 : i32
      %dma_start3A_352 = tpu.memref_slice %arg6[%sub3A_294, %dma_start3A_350, %dma_start3A_351] : memref<2x1024x32xf32, #tpu.memory_space<vmem>> -> memref<1x128x32xf32, #tpu.memory_space<vmem>>
      %dma_start3A_353 = tpu.memref_squeeze %dma_start3A_352 : memref<1x128x32xf32, #tpu.memory_space<vmem>> -> memref<128x32xf32, #tpu.memory_space<vmem>>
      %dma_start3A_354 = arith.constant 0 : i32
      %dma_start3A_355 = tpu.memref_slice %arg5[%sub3A_294, %dma_start3A_349, %dma_start3A_354] : memref<2x8x128xi32, #tpu.memory_space<vmem>> -> memref<1x1x128xi32, #tpu.memory_space<vmem>>
      %dma_start3A_356 = tpu.memref_squeeze %dma_start3A_355 : memref<1x1x128xi32, #tpu.memory_space<vmem>> -> memref<128xi32, #tpu.memory_space<vmem>>
      %dma_start3A_357 = arith.constant 0 : i32
      %dma_start3A_358 = arith.constant 0 : i32
      %dma_start3A_359 = tpu.memref_slice %arg3[%dma_start3A_357, %dma_start3A_358] : memref<1000001x32xf32, #tpu.memory_space<hbm>> -> memref<1000001x32xf32, #tpu.memory_space<hbm>>
      tpu.enqueue_indirect_dma source(%dma_start3A_359 : memref<1000001x32xf32, #tpu.memory_space<hbm>>) target(%dma_start3A_353 : memref<128x32xf32, #tpu.memory_space<vmem>>) offsets(%dma_start3A_356 : memref<128xi32, #tpu.memory_space<vmem>>) semaphore(%arg8 : memref<!tpu.dma_semaphore, #tpu.memory_space<semaphore_mem>>)
      %dma_start3A_360 = arith.constant 1 : i32
      %dma_start3A_361 = arith.constant 128 : i32
      %dma_start3A_362 = arith.constant 0 : i32
      %dma_start3A_363 = tpu.memref_slice %arg6[%sub3A_294, %dma_start3A_361, %dma_start3A_362] : memref<2x1024x32xf32, #tpu.memory_space<vmem>> -> memref<1x128x32xf32, #tpu.memory_space<vmem>>
      %dma_start3A_364 = tpu.memref_squeeze %dma_start3A_363 : memref<1x128x32xf32, #tpu.memory_space<vmem>> -> memref<128x32xf32, #tpu.memory_space<vmem>>
      %dma_start3A_365 = arith.constant 0 : i32
      %dma_start3A_366 = tpu.memref_slice %arg5[%sub3A_294, %dma_start3A_360, %dma_start3A_365] : memref<2x8x128xi32, #tpu.memory_space<vmem>> -> memref<1x1x128xi32, #tpu.memory_space<vmem>>
      %dma_start3A_367 = tpu.memref_squeeze %dma_start3A_366 : memref<1x1x128xi32, #tpu.memory_space<vmem>> -> memref<128xi32, #tpu.memory_space<vmem>>
      %dma_start3A_368 = arith.constant 0 : i32
      %dma_start3A_369 = arith.constant 0 : i32
      %dma_start3A_370 = tpu.memref_slice %arg3[%dma_start3A_368, %dma_start3A_369] : memref<1000001x32xf32, #tpu.memory_space<hbm>> -> memref<1000001x32xf32, #tpu.memory_space<hbm>>
      tpu.enqueue_indirect_dma source(%dma_start3A_370 : memref<1000001x32xf32, #tpu.memory_space<hbm>>) target(%dma_start3A_364 : memref<128x32xf32, #tpu.memory_space<vmem>>) offsets(%dma_start3A_367 : memref<128xi32, #tpu.memory_space<vmem>>) semaphore(%arg8 : memref<!tpu.dma_semaphore, #tpu.memory_space<semaphore_mem>>)
      %dma_start3A_371 = arith.constant 2 : i32
      %dma_start3A_372 = arith.constant 256 : i32
      %dma_start3A_373 = arith.constant 0 : i32
      %dma_start3A_374 = tpu.memref_slice %arg6[%sub3A_294, %dma_start3A_372, %dma_start3A_373] : memref<2x1024x32xf32, #tpu.memory_space<vmem>> -> memref<1x128x32xf32, #tpu.memory_space<vmem>>
      %dma_start3A_375 = tpu.memref_squeeze %dma_start3A_374 : memref<1x128x32xf32, #tpu.memory_space<vmem>> -> memref<128x32xf32, #tpu.memory_space<vmem>>
      %dma_start3A_376 = arith.constant 0 : i32
      %dma_start3A_377 = tpu.memref_slice %arg5[%sub3A_294, %dma_start3A_371, %dma_start3A_376] : memref<2x8x128xi32, #tpu.memory_space<vmem>> -> memref<1x1x128xi32, #tpu.memory_space<vmem>>
      %dma_start3A_378 = tpu.memref_squeeze %dma_start3A_377 : memref<1x1x128xi32, #tpu.memory_space<vmem>> -> memref<128xi32, #tpu.memory_space<vmem>>
      %dma_start3A_379 = arith.constant 0 : i32
      %dma_start3A_380 = arith.constant 0 : i32
      %dma_start3A_381 = tpu.memref_slice %arg3[%dma_start3A_379, %dma_start3A_380] : memref<1000001x32xf32, #tpu.memory_space<hbm>> -> memref<1000001x32xf32, #tpu.memory_space<hbm>>
      tpu.enqueue_indirect_dma source(%dma_start3A_381 : memref<1000001x32xf32, #tpu.memory_space<hbm>>) target(%dma_start3A_375 : memref<128x32xf32, #tpu.memory_space<vmem>>) offsets(%dma_start3A_378 : memref<128xi32, #tpu.memory_space<vmem>>) semaphore(%arg8 : memref<!tpu.dma_semaphore, #tpu.memory_space<semaphore_mem>>)
      %dma_start3A_382 = arith.constant 3 : i32
      %dma_start3A_383 = arith.constant 384 : i32
      %dma_start3A_384 = arith.constant 0 : i32
      %dma_start3A_385 = tpu.memref_slice %arg6[%sub3A_294, %dma_start3A_383, %dma_start3A_384] : memref<2x1024x32xf32, #tpu.memory_space<vmem>> -> memref<1x128x32xf32, #tpu.memory_space<vmem>>
      %dma_start3A_386 = tpu.memref_squeeze %dma_start3A_385 : memref<1x128x32xf32, #tpu.memory_space<vmem>> -> memref<128x32xf32, #tpu.memory_space<vmem>>
      %dma_start3A_387 = arith.constant 0 : i32
      %dma_start3A_388 = tpu.memref_slice %arg5[%sub3A_294, %dma_start3A_382, %dma_start3A_387] : memref<2x8x128xi32, #tpu.memory_space<vmem>> -> memref<1x1x128xi32, #tpu.memory_space<vmem>>
      %dma_start3A_389 = tpu.memref_squeeze %dma_start3A_388 : memref<1x1x128xi32, #tpu.memory_space<vmem>> -> memref<128xi32, #tpu.memory_space<vmem>>
      %dma_start3A_390 = arith.constant 0 : i32
      %dma_start3A_391 = arith.constant 0 : i32
      %dma_start3A_392 = tpu.memref_slice %arg3[%dma_start3A_390, %dma_start3A_391] : memref<1000001x32xf32, #tpu.memory_space<hbm>> -> memref<1000001x32xf32, #tpu.memory_space<hbm>>
      tpu.enqueue_indirect_dma source(%dma_start3A_392 : memref<1000001x32xf32, #tpu.memory_space<hbm>>) target(%dma_start3A_386 : memref<128x32xf32, #tpu.memory_space<vmem>>) offsets(%dma_start3A_389 : memref<128xi32, #tpu.memory_space<vmem>>) semaphore(%arg8 : memref<!tpu.dma_semaphore, #tpu.memory_space<semaphore_mem>>)
      %dma_start3A_393 = arith.constant 4 : i32
      %dma_start3A_394 = arith.constant 512 : i32
      %dma_start3A_395 = arith.constant 0 : i32
      %dma_start3A_396 = tpu.memref_slice %arg6[%sub3A_294, %dma_start3A_394, %dma_start3A_395] : memref<2x1024x32xf32, #tpu.memory_space<vmem>> -> memref<1x128x32xf32, #tpu.memory_space<vmem>>
      %dma_start3A_397 = tpu.memref_squeeze %dma_start3A_396 : memref<1x128x32xf32, #tpu.memory_space<vmem>> -> memref<128x32xf32, #tpu.memory_space<vmem>>
      %dma_start3A_398 = arith.constant 0 : i32
      %dma_start3A_399 = tpu.memref_slice %arg5[%sub3A_294, %dma_start3A_393, %dma_start3A_398] : memref<2x8x128xi32, #tpu.memory_space<vmem>> -> memref<1x1x128xi32, #tpu.memory_space<vmem>>
      %dma_start3A_400 = tpu.memref_squeeze %dma_start3A_399 : memref<1x1x128xi32, #tpu.memory_space<vmem>> -> memref<128xi32, #tpu.memory_space<vmem>>
      %dma_start3A_401 = arith.constant 0 : i32
      %dma_start3A_402 = arith.constant 0 : i32
      %dma_start3A_403 = tpu.memref_slice %arg3[%dma_start3A_401, %dma_start3A_402] : memref<1000001x32xf32, #tpu.memory_space<hbm>> -> memref<1000001x32xf32, #tpu.memory_space<hbm>>
      tpu.enqueue_indirect_dma source(%dma_start3A_403 : memref<1000001x32xf32, #tpu.memory_space<hbm>>) target(%dma_start3A_397 : memref<128x32xf32, #tpu.memory_space<vmem>>) offsets(%dma_start3A_400 : memref<128xi32, #tpu.memory_space<vmem>>) semaphore(%arg8 : memref<!tpu.dma_semaphore, #tpu.memory_space<semaphore_mem>>)
      %dma_start3A_404 = arith.constant 5 : i32
      %dma_start3A_405 = arith.constant 640 : i32
      %dma_start3A_406 = arith.constant 0 : i32
      %dma_start3A_407 = tpu.memref_slice %arg6[%sub3A_294, %dma_start3A_405, %dma_start3A_406] : memref<2x1024x32xf32, #tpu.memory_space<vmem>> -> memref<1x128x32xf32, #tpu.memory_space<vmem>>
      %dma_start3A_408 = tpu.memref_squeeze %dma_start3A_407 : memref<1x128x32xf32, #tpu.memory_space<vmem>> -> memref<128x32xf32, #tpu.memory_space<vmem>>
      %dma_start3A_409 = arith.constant 0 : i32
      %dma_start3A_410 = tpu.memref_slice %arg5[%sub3A_294, %dma_start3A_404, %dma_start3A_409] : memref<2x8x128xi32, #tpu.memory_space<vmem>> -> memref<1x1x128xi32, #tpu.memory_space<vmem>>
      %dma_start3A_411 = tpu.memref_squeeze %dma_start3A_410 : memref<1x1x128xi32, #tpu.memory_space<vmem>> -> memref<128xi32, #tpu.memory_space<vmem>>
      %dma_start3A_412 = arith.constant 0 : i32
      %dma_start3A_413 = arith.constant 0 : i32
      %dma_start3A_414 = tpu.memref_slice %arg3[%dma_start3A_412, %dma_start3A_413] : memref<1000001x32xf32, #tpu.memory_space<hbm>> -> memref<1000001x32xf32, #tpu.memory_space<hbm>>
      tpu.enqueue_indirect_dma source(%dma_start3A_414 : memref<1000001x32xf32, #tpu.memory_space<hbm>>) target(%dma_start3A_408 : memref<128x32xf32, #tpu.memory_space<vmem>>) offsets(%dma_start3A_411 : memref<128xi32, #tpu.memory_space<vmem>>) semaphore(%arg8 : memref<!tpu.dma_semaphore, #tpu.memory_space<semaphore_mem>>)
      %dma_start3A_415 = arith.constant 6 : i32
      %dma_start3A_416 = arith.constant 768 : i32
      %dma_start3A_417 = arith.constant 0 : i32
      %dma_start3A_418 = tpu.memref_slice %arg6[%sub3A_294, %dma_start3A_416, %dma_start3A_417] : memref<2x1024x32xf32, #tpu.memory_space<vmem>> -> memref<1x128x32xf32, #tpu.memory_space<vmem>>
      %dma_start3A_419 = tpu.memref_squeeze %dma_start3A_418 : memref<1x128x32xf32, #tpu.memory_space<vmem>> -> memref<128x32xf32, #tpu.memory_space<vmem>>
      %dma_start3A_420 = arith.constant 0 : i32
      %dma_start3A_421 = tpu.memref_slice %arg5[%sub3A_294, %dma_start3A_415, %dma_start3A_420] : memref<2x8x128xi32, #tpu.memory_space<vmem>> -> memref<1x1x128xi32, #tpu.memory_space<vmem>>
      %dma_start3A_422 = tpu.memref_squeeze %dma_start3A_421 : memref<1x1x128xi32, #tpu.memory_space<vmem>> -> memref<128xi32, #tpu.memory_space<vmem>>
      %dma_start3A_423 = arith.constant 0 : i32
      %dma_start3A_424 = arith.constant 0 : i32
      %dma_start3A_425 = tpu.memref_slice %arg3[%dma_start3A_423, %dma_start3A_424] : memref<1000001x32xf32, #tpu.memory_space<hbm>> -> memref<1000001x32xf32, #tpu.memory_space<hbm>>
      tpu.enqueue_indirect_dma source(%dma_start3A_425 : memref<1000001x32xf32, #tpu.memory_space<hbm>>) target(%dma_start3A_419 : memref<128x32xf32, #tpu.memory_space<vmem>>) offsets(%dma_start3A_422 : memref<128xi32, #tpu.memory_space<vmem>>) semaphore(%arg8 : memref<!tpu.dma_semaphore, #tpu.memory_space<semaphore_mem>>)
      %dma_start3A_426 = arith.constant 7 : i32
      %dma_start3A_427 = arith.constant 896 : i32
      %dma_start3A_428 = arith.constant 0 : i32
      %dma_start3A_429 = tpu.memref_slice %arg6[%sub3A_294, %dma_start3A_427, %dma_start3A_428] : memref<2x1024x32xf32, #tpu.memory_space<vmem>> -> memref<1x128x32xf32, #tpu.memory_space<vmem>>
      %dma_start3A_430 = tpu.memref_squeeze %dma_start3A_429 : memref<1x128x32xf32, #tpu.memory_space<vmem>> -> memref<128x32xf32, #tpu.memory_space<vmem>>
      %dma_start3A_431 = arith.constant 0 : i32
      %dma_start3A_432 = tpu.memref_slice %arg5[%sub3A_294, %dma_start3A_426, %dma_start3A_431] : memref<2x8x128xi32, #tpu.memory_space<vmem>> -> memref<1x1x128xi32, #tpu.memory_space<vmem>>
      %dma_start3A_433 = tpu.memref_squeeze %dma_start3A_432 : memref<1x1x128xi32, #tpu.memory_space<vmem>> -> memref<128xi32, #tpu.memory_space<vmem>>
      %dma_start3A_434 = arith.constant 0 : i32
      %dma_start3A_435 = arith.constant 0 : i32
      %dma_start3A_436 = tpu.memref_slice %arg3[%dma_start3A_434, %dma_start3A_435] : memref<1000001x32xf32, #tpu.memory_space<hbm>> -> memref<1000001x32xf32, #tpu.memory_space<hbm>>
      tpu.enqueue_indirect_dma source(%dma_start3A_436 : memref<1000001x32xf32, #tpu.memory_space<hbm>>) target(%dma_start3A_430 : memref<128x32xf32, #tpu.memory_space<vmem>>) offsets(%dma_start3A_433 : memref<128xi32, #tpu.memory_space<vmem>>) semaphore(%arg8 : memref<!tpu.dma_semaphore, #tpu.memory_space<semaphore_mem>>)
      %mul3A_437 = arith.constant 1024 : i32
      %mul3A_438 = arith.muli %add3A_290, %mul3A_437 : i32
      %add3A_439 = arith.addi %mul3A_2, %mul3A_438 : i32
      %dma_start3A_440 = arith.constant 0 : i32
      %dma_start3A_441 = arith.constant 0 : i32
      %dma_start3A_442 = tpu.memref_slice %arg6[%rem3A_292, %dma_start3A_440, %dma_start3A_441] : memref<2x1024x32xf32, #tpu.memory_space<vmem>> -> memref<1x1024x32xf32, #tpu.memory_space<vmem>>
      %dma_start3A_443 = tpu.memref_squeeze %dma_start3A_442 : memref<1x1024x32xf32, #tpu.memory_space<vmem>> -> memref<1024x32xf32, #tpu.memory_space<vmem>>
      %dma_start3A_444 = arith.constant 0 : i32
      %dma_start3A_445 = tpu.memref_slice %arg4[%add3A_439, %dma_start3A_444] : memref<819200x128xf32, #tpu.memory_space<hbm>> -> memref<1024x32xf32, #tpu.memory_space<hbm>>
      %dma_start3A_446 = arith.constant 0 : i32
      %dma_start3A_447 = tpu.memref_slice %arg4[%add3A_439, %dma_start3A_446] : memref<819200x128xf32, #tpu.memory_space<hbm>> -> memref<1024x32xf32, #tpu.memory_space<hbm>>
      %dma_start3A_448 = arith.constant 0 : i32
      %dma_start3A_449 = arith.constant 0 : i32
      %dma_start3A_450 = tpu.memref_slice %arg6[%rem3A_292, %dma_start3A_448, %dma_start3A_449] : memref<2x1024x32xf32, #tpu.memory_space<vmem>> -> memref<1x1024x32xf32, #tpu.memory_space<vmem>>
      %dma_start3A_451 = tpu.memref_squeeze %dma_start3A_450 : memref<1x1024x32xf32, #tpu.memory_space<vmem>> -> memref<1024x32xf32, #tpu.memory_space<vmem>>
      tpu.enqueue_dma source(%dma_start3A_451 : memref<1024x32xf32, #tpu.memory_space<vmem>>) target(%dma_start3A_447 : memref<1024x32xf32, #tpu.memory_space<hbm>>) target_semaphore(%arg9 : memref<!tpu.dma_semaphore, #tpu.memory_space<semaphore_mem>>)
      %dma_wait3A_452 = arith.constant 0 : i32
      %dma_wait3A_453 = arith.constant 0 : i32
      %dma_wait3A_454 = tpu.memref_slice %arg6[%rem3A_292, %dma_wait3A_452, %dma_wait3A_453] : memref<2x1024x32xf32, #tpu.memory_space<vmem>> -> memref<1x1024x32xf32, #tpu.memory_space<vmem>>
      %dma_wait3A_455 = tpu.memref_squeeze %dma_wait3A_454 : memref<1x1024x32xf32, #tpu.memory_space<vmem>> -> memref<1024x32xf32, #tpu.memory_space<vmem>>
      %dma_wait3A_456 = arith.constant 0 : i32
      %dma_wait3A_457 = tpu.memref_slice %arg4[%add3A_439, %dma_wait3A_456] : memref<819200x128xf32, #tpu.memory_space<hbm>> -> memref<1024x32xf32, #tpu.memory_space<hbm>>
      %dma_wait3A_458 = arith.constant 0 : i32
      %dma_wait3A_459 = tpu.memref_slice %arg4[%add3A_439, %dma_wait3A_458] : memref<819200x128xf32, #tpu.memory_space<hbm>> -> memref<1024x32xf32, #tpu.memory_space<hbm>>
      %dma_wait3A_460 = arith.constant 0 : i32
      %dma_wait3A_461 = arith.constant 0 : i32
      %dma_wait3A_462 = tpu.memref_slice %arg6[%rem3A_292, %dma_wait3A_460, %dma_wait3A_461] : memref<2x1024x32xf32, #tpu.memory_space<vmem>> -> memref<1x1024x32xf32, #tpu.memory_space<vmem>>
      %dma_wait3A_463 = tpu.memref_squeeze %dma_wait3A_462 : memref<1x1024x32xf32, #tpu.memory_space<vmem>> -> memref<1024x32xf32, #tpu.memory_space<vmem>>
      tpu.wait_dma2 semaphore(%arg9 : memref<!tpu.dma_semaphore, #tpu.memory_space<semaphore_mem>>) src(%dma_wait3A_463 : memref<1024x32xf32, #tpu.memory_space<vmem>>) dst(%dma_wait3A_459 : memref<1024x32xf32, #tpu.memory_space<hbm>>)
      %dma_wait3A_464 = arith.constant 0 : i32
      %dma_wait3A_465 = arith.constant 0 : i32
      %dma_wait3A_466 = arith.constant 0 : i32
      %dma_wait3A_467 = tpu.memref_slice %arg6[%sub3A_294, %dma_wait3A_465, %dma_wait3A_466] : memref<2x1024x32xf32, #tpu.memory_space<vmem>> -> memref<1x128x32xf32, #tpu.memory_space<vmem>>
      %dma_wait3A_468 = tpu.memref_squeeze %dma_wait3A_467 : memref<1x128x32xf32, #tpu.memory_space<vmem>> -> memref<128x32xf32, #tpu.memory_space<vmem>>
      %dma_wait3A_469 = arith.constant 0 : i32
      %dma_wait3A_470 = tpu.memref_slice %arg5[%sub3A_294, %dma_wait3A_464, %dma_wait3A_469] : memref<2x8x128xi32, #tpu.memory_space<vmem>> -> memref<1x1x128xi32, #tpu.memory_space<vmem>>
      %dma_wait3A_471 = tpu.memref_squeeze %dma_wait3A_470 : memref<1x1x128xi32, #tpu.memory_space<vmem>> -> memref<128xi32, #tpu.memory_space<vmem>>
      %dma_wait3A_472 = arith.constant 0 : i32
      %dma_wait3A_473 = arith.constant 0 : i32
      %dma_wait3A_474 = tpu.memref_slice %arg3[%dma_wait3A_472, %dma_wait3A_473] : memref<1000001x32xf32, #tpu.memory_space<hbm>> -> memref<1000001x32xf32, #tpu.memory_space<hbm>>
      tpu.wait_indirect_dma semaphore(%arg8 : memref<!tpu.dma_semaphore, #tpu.memory_space<semaphore_mem>>) src(%dma_wait3A_474 : memref<1000001x32xf32, #tpu.memory_space<hbm>>) dst(%dma_wait3A_468 : memref<128x32xf32, #tpu.memory_space<vmem>>)
      %dma_wait3A_475 = arith.constant 1 : i32
      %dma_wait3A_476 = arith.constant 128 : i32
      %dma_wait3A_477 = arith.constant 0 : i32
      %dma_wait3A_478 = tpu.memref_slice %arg6[%sub3A_294, %dma_wait3A_476, %dma_wait3A_477] : memref<2x1024x32xf32, #tpu.memory_space<vmem>> -> memref<1x128x32xf32, #tpu.memory_space<vmem>>
      %dma_wait3A_479 = tpu.memref_squeeze %dma_wait3A_478 : memref<1x128x32xf32, #tpu.memory_space<vmem>> -> memref<128x32xf32, #tpu.memory_space<vmem>>
      %dma_wait3A_480 = arith.constant 0 : i32
      %dma_wait3A_481 = tpu.memref_slice %arg5[%sub3A_294, %dma_wait3A_475, %dma_wait3A_480] : memref<2x8x128xi32, #tpu.memory_space<vmem>> -> memref<1x1x128xi32, #tpu.memory_space<vmem>>
      %dma_wait3A_482 = tpu.memref_squeeze %dma_wait3A_481 : memref<1x1x128xi32, #tpu.memory_space<vmem>> -> memref<128xi32, #tpu.memory_space<vmem>>
      %dma_wait3A_483 = arith.constant 0 : i32
      %dma_wait3A_484 = arith.constant 0 : i32
      %dma_wait3A_485 = tpu.memref_slice %arg3[%dma_wait3A_483, %dma_wait3A_484] : memref<1000001x32xf32, #tpu.memory_space<hbm>> -> memref<1000001x32xf32, #tpu.memory_space<hbm>>
      tpu.wait_indirect_dma semaphore(%arg8 : memref<!tpu.dma_semaphore, #tpu.memory_space<semaphore_mem>>) src(%dma_wait3A_485 : memref<1000001x32xf32, #tpu.memory_space<hbm>>) dst(%dma_wait3A_479 : memref<128x32xf32, #tpu.memory_space<vmem>>)
      %dma_wait3A_486 = arith.constant 2 : i32
      %dma_wait3A_487 = arith.constant 256 : i32
      %dma_wait3A_488 = arith.constant 0 : i32
      %dma_wait3A_489 = tpu.memref_slice %arg6[%sub3A_294, %dma_wait3A_487, %dma_wait3A_488] : memref<2x1024x32xf32, #tpu.memory_space<vmem>> -> memref<1x128x32xf32, #tpu.memory_space<vmem>>
      %dma_wait3A_490 = tpu.memref_squeeze %dma_wait3A_489 : memref<1x128x32xf32, #tpu.memory_space<vmem>> -> memref<128x32xf32, #tpu.memory_space<vmem>>
      %dma_wait3A_491 = arith.constant 0 : i32
      %dma_wait3A_492 = tpu.memref_slice %arg5[%sub3A_294, %dma_wait3A_486, %dma_wait3A_491] : memref<2x8x128xi32, #tpu.memory_space<vmem>> -> memref<1x1x128xi32, #tpu.memory_space<vmem>>
      %dma_wait3A_493 = tpu.memref_squeeze %dma_wait3A_492 : memref<1x1x128xi32, #tpu.memory_space<vmem>> -> memref<128xi32, #tpu.memory_space<vmem>>
      %dma_wait3A_494 = arith.constant 0 : i32
      %dma_wait3A_495 = arith.constant 0 : i32
      %dma_wait3A_496 = tpu.memref_slice %arg3[%dma_wait3A_494, %dma_wait3A_495] : memref<1000001x32xf32, #tpu.memory_space<hbm>> -> memref<1000001x32xf32, #tpu.memory_space<hbm>>
      tpu.wait_indirect_dma semaphore(%arg8 : memref<!tpu.dma_semaphore, #tpu.memory_space<semaphore_mem>>) src(%dma_wait3A_496 : memref<1000001x32xf32, #tpu.memory_space<hbm>>) dst(%dma_wait3A_490 : memref<128x32xf32, #tpu.memory_space<vmem>>)
      %dma_wait3A_497 = arith.constant 3 : i32
      %dma_wait3A_498 = arith.constant 384 : i32
      %dma_wait3A_499 = arith.constant 0 : i32
      %dma_wait3A_500 = tpu.memref_slice %arg6[%sub3A_294, %dma_wait3A_498, %dma_wait3A_499] : memref<2x1024x32xf32, #tpu.memory_space<vmem>> -> memref<1x128x32xf32, #tpu.memory_space<vmem>>
      %dma_wait3A_501 = tpu.memref_squeeze %dma_wait3A_500 : memref<1x128x32xf32, #tpu.memory_space<vmem>> -> memref<128x32xf32, #tpu.memory_space<vmem>>
      %dma_wait3A_502 = arith.constant 0 : i32
      %dma_wait3A_503 = tpu.memref_slice %arg5[%sub3A_294, %dma_wait3A_497, %dma_wait3A_502] : memref<2x8x128xi32, #tpu.memory_space<vmem>> -> memref<1x1x128xi32, #tpu.memory_space<vmem>>
      %dma_wait3A_504 = tpu.memref_squeeze %dma_wait3A_503 : memref<1x1x128xi32, #tpu.memory_space<vmem>> -> memref<128xi32, #tpu.memory_space<vmem>>
      %dma_wait3A_505 = arith.constant 0 : i32
      %dma_wait3A_506 = arith.constant 0 : i32
      %dma_wait3A_507 = tpu.memref_slice %arg3[%dma_wait3A_505, %dma_wait3A_506] : memref<1000001x32xf32, #tpu.memory_space<hbm>> -> memref<1000001x32xf32, #tpu.memory_space<hbm>>
      tpu.wait_indirect_dma semaphore(%arg8 : memref<!tpu.dma_semaphore, #tpu.memory_space<semaphore_mem>>) src(%dma_wait3A_507 : memref<1000001x32xf32, #tpu.memory_space<hbm>>) dst(%dma_wait3A_501 : memref<128x32xf32, #tpu.memory_space<vmem>>)
      %dma_wait3A_508 = arith.constant 4 : i32
      %dma_wait3A_509 = arith.constant 512 : i32
      %dma_wait3A_510 = arith.constant 0 : i32
      %dma_wait3A_511 = tpu.memref_slice %arg6[%sub3A_294, %dma_wait3A_509, %dma_wait3A_510] : memref<2x1024x32xf32, #tpu.memory_space<vmem>> -> memref<1x128x32xf32, #tpu.memory_space<vmem>>
      %dma_wait3A_512 = tpu.memref_squeeze %dma_wait3A_511 : memref<1x128x32xf32, #tpu.memory_space<vmem>> -> memref<128x32xf32, #tpu.memory_space<vmem>>
      %dma_wait3A_513 = arith.constant 0 : i32
      %dma_wait3A_514 = tpu.memref_slice %arg5[%sub3A_294, %dma_wait3A_508, %dma_wait3A_513] : memref<2x8x128xi32, #tpu.memory_space<vmem>> -> memref<1x1x128xi32, #tpu.memory_space<vmem>>
      %dma_wait3A_515 = tpu.memref_squeeze %dma_wait3A_514 : memref<1x1x128xi32, #tpu.memory_space<vmem>> -> memref<128xi32, #tpu.memory_space<vmem>>
      %dma_wait3A_516 = arith.constant 0 : i32
      %dma_wait3A_517 = arith.constant 0 : i32
      %dma_wait3A_518 = tpu.memref_slice %arg3[%dma_wait3A_516, %dma_wait3A_517] : memref<1000001x32xf32, #tpu.memory_space<hbm>> -> memref<1000001x32xf32, #tpu.memory_space<hbm>>
      tpu.wait_indirect_dma semaphore(%arg8 : memref<!tpu.dma_semaphore, #tpu.memory_space<semaphore_mem>>) src(%dma_wait3A_518 : memref<1000001x32xf32, #tpu.memory_space<hbm>>) dst(%dma_wait3A_512 : memref<128x32xf32, #tpu.memory_space<vmem>>)
      %dma_wait3A_519 = arith.constant 5 : i32
      %dma_wait3A_520 = arith.constant 640 : i32
      %dma_wait3A_521 = arith.constant 0 : i32
      %dma_wait3A_522 = tpu.memref_slice %arg6[%sub3A_294, %dma_wait3A_520, %dma_wait3A_521] : memref<2x1024x32xf32, #tpu.memory_space<vmem>> -> memref<1x128x32xf32, #tpu.memory_space<vmem>>
      %dma_wait3A_523 = tpu.memref_squeeze %dma_wait3A_522 : memref<1x128x32xf32, #tpu.memory_space<vmem>> -> memref<128x32xf32, #tpu.memory_space<vmem>>
      %dma_wait3A_524 = arith.constant 0 : i32
      %dma_wait3A_525 = tpu.memref_slice %arg5[%sub3A_294, %dma_wait3A_519, %dma_wait3A_524] : memref<2x8x128xi32, #tpu.memory_space<vmem>> -> memref<1x1x128xi32, #tpu.memory_space<vmem>>
      %dma_wait3A_526 = tpu.memref_squeeze %dma_wait3A_525 : memref<1x1x128xi32, #tpu.memory_space<vmem>> -> memref<128xi32, #tpu.memory_space<vmem>>
      %dma_wait3A_527 = arith.constant 0 : i32
      %dma_wait3A_528 = arith.constant 0 : i32
      %dma_wait3A_529 = tpu.memref_slice %arg3[%dma_wait3A_527, %dma_wait3A_528] : memref<1000001x32xf32, #tpu.memory_space<hbm>> -> memref<1000001x32xf32, #tpu.memory_space<hbm>>
      tpu.wait_indirect_dma semaphore(%arg8 : memref<!tpu.dma_semaphore, #tpu.memory_space<semaphore_mem>>) src(%dma_wait3A_529 : memref<1000001x32xf32, #tpu.memory_space<hbm>>) dst(%dma_wait3A_523 : memref<128x32xf32, #tpu.memory_space<vmem>>)
      %dma_wait3A_530 = arith.constant 6 : i32
      %dma_wait3A_531 = arith.constant 768 : i32
      %dma_wait3A_532 = arith.constant 0 : i32
      %dma_wait3A_533 = tpu.memref_slice %arg6[%sub3A_294, %dma_wait3A_531, %dma_wait3A_532] : memref<2x1024x32xf32, #tpu.memory_space<vmem>> -> memref<1x128x32xf32, #tpu.memory_space<vmem>>
      %dma_wait3A_534 = tpu.memref_squeeze %dma_wait3A_533 : memref<1x128x32xf32, #tpu.memory_space<vmem>> -> memref<128x32xf32, #tpu.memory_space<vmem>>
      %dma_wait3A_535 = arith.constant 0 : i32
      %dma_wait3A_536 = tpu.memref_slice %arg5[%sub3A_294, %dma_wait3A_530, %dma_wait3A_535] : memref<2x8x128xi32, #tpu.memory_space<vmem>> -> memref<1x1x128xi32, #tpu.memory_space<vmem>>
      %dma_wait3A_537 = tpu.memref_squeeze %dma_wait3A_536 : memref<1x1x128xi32, #tpu.memory_space<vmem>> -> memref<128xi32, #tpu.memory_space<vmem>>
      %dma_wait3A_538 = arith.constant 0 : i32
      %dma_wait3A_539 = arith.constant 0 : i32
      %dma_wait3A_540 = tpu.memref_slice %arg3[%dma_wait3A_538, %dma_wait3A_539] : memref<1000001x32xf32, #tpu.memory_space<hbm>> -> memref<1000001x32xf32, #tpu.memory_space<hbm>>
      tpu.wait_indirect_dma semaphore(%arg8 : memref<!tpu.dma_semaphore, #tpu.memory_space<semaphore_mem>>) src(%dma_wait3A_540 : memref<1000001x32xf32, #tpu.memory_space<hbm>>) dst(%dma_wait3A_534 : memref<128x32xf32, #tpu.memory_space<vmem>>)
      %dma_wait3A_541 = arith.constant 7 : i32
      %dma_wait3A_542 = arith.constant 896 : i32
      %dma_wait3A_543 = arith.constant 0 : i32
      %dma_wait3A_544 = tpu.memref_slice %arg6[%sub3A_294, %dma_wait3A_542, %dma_wait3A_543] : memref<2x1024x32xf32, #tpu.memory_space<vmem>> -> memref<1x128x32xf32, #tpu.memory_space<vmem>>
      %dma_wait3A_545 = tpu.memref_squeeze %dma_wait3A_544 : memref<1x128x32xf32, #tpu.memory_space<vmem>> -> memref<128x32xf32, #tpu.memory_space<vmem>>
      %dma_wait3A_546 = arith.constant 0 : i32
      %dma_wait3A_547 = tpu.memref_slice %arg5[%sub3A_294, %dma_wait3A_541, %dma_wait3A_546] : memref<2x8x128xi32, #tpu.memory_space<vmem>> -> memref<1x1x128xi32, #tpu.memory_space<vmem>>
      %dma_wait3A_548 = tpu.memref_squeeze %dma_wait3A_547 : memref<1x1x128xi32, #tpu.memory_space<vmem>> -> memref<128xi32, #tpu.memory_space<vmem>>
      %dma_wait3A_549 = arith.constant 0 : i32
      %dma_wait3A_550 = arith.constant 0 : i32
      %dma_wait3A_551 = tpu.memref_slice %arg3[%dma_wait3A_549, %dma_wait3A_550] : memref<1000001x32xf32, #tpu.memory_space<hbm>> -> memref<1000001x32xf32, #tpu.memory_space<hbm>>
      tpu.wait_indirect_dma semaphore(%arg8 : memref<!tpu.dma_semaphore, #tpu.memory_space<semaphore_mem>>) src(%dma_wait3A_551 : memref<1000001x32xf32, #tpu.memory_space<hbm>>) dst(%dma_wait3A_545 : memref<128x32xf32, #tpu.memory_space<vmem>>)
    }
    %scan3A_256 = arith.constant 24 : i32
    %rem3A_257 = arith.constant 24 : i32
    %rem3A_258 = arith.constant 2 : i32
    %rem3A_259 = arith.remsi %rem3A_257, %rem3A_258 : i32
    %add3A_260 = arith.constant 24576 : i32
    %add3A_261 = arith.addi %mul3A_2, %add3A_260 : i32
    %dma_start3A_262 = arith.constant 0 : i32
    %dma_start3A_263 = arith.constant 0 : i32
    %dma_start3A_264 = tpu.memref_slice %arg6[%rem3A_259, %dma_start3A_262, %dma_start3A_263] : memref<2x1024x32xf32, #tpu.memory_space<vmem>> -> memref<1x1024x32xf32, #tpu.memory_space<vmem>>
    %dma_start3A_265 = tpu.memref_squeeze %dma_start3A_264 : memref<1x1024x32xf32, #tpu.memory_space<vmem>> -> memref<1024x32xf32, #tpu.memory_space<vmem>>
    %dma_start3A_266 = arith.constant 0 : i32
    %dma_start3A_267 = tpu.memref_slice %arg4[%add3A_261, %dma_start3A_266] : memref<819200x128xf32, #tpu.memory_space<hbm>> -> memref<1024x32xf32, #tpu.memory_space<hbm>>
    %dma_start3A_268 = arith.constant 0 : i32
    %dma_start3A_269 = tpu.memref_slice %arg4[%add3A_261, %dma_start3A_268] : memref<819200x128xf32, #tpu.memory_space<hbm>> -> memref<1024x32xf32, #tpu.memory_space<hbm>>
    %dma_start3A_270 = arith.constant 0 : i32
    %dma_start3A_271 = arith.constant 0 : i32
    %dma_start3A_272 = tpu.memref_slice %arg6[%rem3A_259, %dma_start3A_270, %dma_start3A_271] : memref<2x1024x32xf32, #tpu.memory_space<vmem>> -> memref<1x1024x32xf32, #tpu.memory_space<vmem>>
    %dma_start3A_273 = tpu.memref_squeeze %dma_start3A_272 : memref<1x1024x32xf32, #tpu.memory_space<vmem>> -> memref<1024x32xf32, #tpu.memory_space<vmem>>
    tpu.enqueue_dma source(%dma_start3A_273 : memref<1024x32xf32, #tpu.memory_space<vmem>>) target(%dma_start3A_269 : memref<1024x32xf32, #tpu.memory_space<hbm>>) target_semaphore(%arg9 : memref<!tpu.dma_semaphore, #tpu.memory_space<semaphore_mem>>)
    %dma_wait3A_274 = arith.constant 0 : i32
    %dma_wait3A_275 = arith.constant 0 : i32
    %dma_wait3A_276 = tpu.memref_slice %arg6[%rem3A_259, %dma_wait3A_274, %dma_wait3A_275] : memref<2x1024x32xf32, #tpu.memory_space<vmem>> -> memref<1x1024x32xf32, #tpu.memory_space<vmem>>
    %dma_wait3A_277 = tpu.memref_squeeze %dma_wait3A_276 : memref<1x1024x32xf32, #tpu.memory_space<vmem>> -> memref<1024x32xf32, #tpu.memory_space<vmem>>
    %dma_wait3A_278 = arith.constant 0 : i32
    %dma_wait3A_279 = tpu.memref_slice %arg4[%add3A_261, %dma_wait3A_278] : memref<819200x128xf32, #tpu.memory_space<hbm>> -> memref<1024x32xf32, #tpu.memory_space<hbm>>
    %dma_wait3A_280 = arith.constant 0 : i32
    %dma_wait3A_281 = tpu.memref_slice %arg4[%add3A_261, %dma_wait3A_280] : memref<819200x128xf32, #tpu.memory_space<hbm>> -> memref<1024x32xf32, #tpu.memory_space<hbm>>
    %dma_wait3A_282 = arith.constant 0 : i32
    %dma_wait3A_283 = arith.constant 0 : i32
    %dma_wait3A_284 = tpu.memref_slice %arg6[%rem3A_259, %dma_wait3A_282, %dma_wait3A_283] : memref<2x1024x32xf32, #tpu.memory_space<vmem>> -> memref<1x1024x32xf32, #tpu.memory_space<vmem>>
    %dma_wait3A_285 = tpu.memref_squeeze %dma_wait3A_284 : memref<1x1024x32xf32, #tpu.memory_space<vmem>> -> memref<1024x32xf32, #tpu.memory_space<vmem>>
    tpu.wait_dma2 semaphore(%arg9 : memref<!tpu.dma_semaphore, #tpu.memory_space<semaphore_mem>>) src(%dma_wait3A_285 : memref<1024x32xf32, #tpu.memory_space<vmem>>) dst(%dma_wait3A_281 : memref<1024x32xf32, #tpu.memory_space<hbm>>)
    return
  }
}

module attributes {stable_mosaic.version = 14 : i64} {
  func.func @_norm_kernel(%arg0: i32, %arg1: memref<12800x128xf32, #tpu.memory_space<vmem>>, %arg2: memref<50x256xf32, #tpu.memory_space<vmem>>, %arg3: memref<50x32x256xf32, #tpu.memory_space<vmem>>) attributes {dimension_semantics = [#tpu.dimension_semantics<arbitrary>], iteration_bounds = array<i64: 64>, scalar_prefetch = 0 : i64, scratch_operands = 0 : i64, tpu.core_type = #tpu.core_type<tc>, window_params = [{transform_indices = @transform_0, window_bounds = array<i64: 12800, 128>}, {transform_indices = @transform_1, window_bounds = array<i64: 50, 256>}, {transform_indices = @transform_2, window_bounds = array<i64: 50, 32, 256>}]} {
    %get3A = arith.constant 0 : index
    %get3A_0 = arith.constant 0 : index
    %get3A_1 = vector.load %arg1[%get3A, %get3A_0] : memref<12800x128xf32, #tpu.memory_space<vmem>>, vector<12800x32xf32>
    %mul3A = arith.mulf %get3A_1, %get3A_1 : vector<12800x32xf32>
    %reduce_sum3A = arith.constant dense<0.000000e+00> : vector<12800xf32>
    %reduce_sum3A_2 = vector.multi_reduction <add>, %mul3A, %reduce_sum3A [1] : vector<12800x32xf32> to vector<12800xf32>
    %broadcast_in_dim3A = vector.shape_cast %reduce_sum3A_2 : vector<12800xf32> to vector<12800x1xf32>
    %rsqrt3A = math.rsqrt %broadcast_in_dim3A : vector<12800x1xf32>
    %mul3A_3 = vector.broadcast %rsqrt3A : vector<12800x1xf32> to vector<12800x32xf32>
    %mul3A_4 = arith.mulf %get3A_1, %mul3A_3 : vector<12800x32xf32>
    %reshape3A = vector.shape_cast %mul3A_4 : vector<12800x32xf32> to vector<256x50x32xf32>
    %transpose3A = tpu.transpose %reshape3A, [1, 2, 0] : vector<256x50x32xf32> -> vector<50x32x256xf32>
    %get3A_5 = arith.constant 0 : index
    %get3A_6 = arith.constant 0 : index
    %get3A_7 = vector.load %arg2[%get3A_5, %get3A_6] : memref<50x256xf32, #tpu.memory_space<vmem>>, vector<50x256xf32>
    %broadcast_in_dim3A_8 = vector.shape_cast %get3A_7 : vector<50x256xf32> to vector<50x1x256xf32>
    %mul3A_9 = vector.broadcast %broadcast_in_dim3A_8 : vector<50x1x256xf32> to vector<50x32x256xf32>
    %mul3A_10 = arith.mulf %transpose3A, %mul3A_9 : vector<50x32x256xf32>
    %swap3A = arith.constant 0 : index
    %swap3A_11 = arith.constant 0 : index
    %swap3A_12 = arith.constant 0 : index
    %swap3A_13 = vector.load %arg3[%swap3A, %swap3A_11, %swap3A_12] : memref<50x32x256xf32, #tpu.memory_space<vmem>>, vector<50x32x256xf32>
    tpu.vector_store %arg3[%swap3A, %swap3A_11, %swap3A_12], %mul3A_10 {strides = array<i32>} : memref<50x32x256xf32, #tpu.memory_space<vmem>>, vector<50x32x256xf32>,
    return
  }
  func.func @transform_0(%arg0: i32) -> (i32, i32) {
    %c0_i32 = arith.constant 0 : i32
    %c0_i32_0 = arith.constant 0 : i32
    return %arg0, %c0_i32 : i32, i32
  }
  func.func @transform_1(%arg0: i32) -> (i32, i32) {
    %c0_i32 = arith.constant 0 : i32
    %c0_i32_0 = arith.constant 0 : i32
    return %c0_i32, %arg0 : i32, i32
  }
  func.func @transform_2(%arg0: i32) -> (i32, i32, i32) {
    %c0_i32 = arith.constant 0 : i32
    %c0_i32_0 = arith.constant 0 : i32
    %c0_i32_1 = arith.constant 0 : i32
    return %c0_i32, %c0_i32_0, %arg0 : i32, i32, i32
  }
}

</mosaic_0001>

<sc_bundles>
// kernel: kernel.4.cloned.1.call-start
scs
__scs_entry_jumppad:
0x0: {  	(pc) =	sbr.rel $0x88, $3  }
0x1: {  	(tag) =	ssettag $0x0;
	lr =	simm.s32 $0x1  }
0x2: {  	[smem:$0x3F9E] =	sst lr;
	_ =	strace $0xD0000000  }
0x3: {  	_ = 	snop  }
0x4: {  	_ = 	snop  }
0x5: {  	_ = 	snop  }
0x6: {  	_ = 	snop  }
0x7: {  	_ = 	snop  }
__scs_overlays_trampoline_lowered:
0x8: {  	[smem:$0x3FAD] =	sst s0  }
0x9: {  	[smem:$0x3FAE] =	sst s1  }
0xa: {  	[smem:$0x3FAF] =	sst s2  }
0xb: {  	[smem:$0x3FB0] =	sst s3  }
0xc: {  	[smem:$0x3FB1] =	sst s4  }
0xd: {  	[smem:$0x3FB2] =	sst s5  }
0xe: {  	[smem:$0x3FB3] =	sst s6  }
0xf: {  	[smem:$0x3FB4] =	sst s7  }
0x10: {  	[smem:$0x3FB5] =	sst s8  }
0x11: {  	[smem:$0x3FB6] =	sst s9;
	s0 =	simm.s32 @!p0 $0x0  }
0x12: {  	s1 =	sld [smem:$0x3F9C];
	s0 =	simm.s32 @p0 $0x1  }
0x13: {  	[smem:$0x3FB7] =	sst s0;
	s0 =	simm.s32 @!p1 $0x0  }
0x14: {  	s2 =	sld [smem:$0x3F9B];
	s0 =	simm.s32 @p1 $0x1  }
0x15: {  	[smem:$0x3FB8] =	sst s0;
	s0 =	simm.s32 @!p2 $0x0  }
0x16: {  	s3 =	sld [smem:$0x3FDB];
	s0 =	simm.s32 @p2 $0x1  }
0x17: {  	s4 =	simm.s32 $0x1BF5;
	[smem:$0x3FBA] =	sst s0  }
0x18: {  	s0 =	sld [smem:$0x3F9D];
	_ =	swait.ge [sflag:s4], $0x0  }
0x19: {  	s7 =	sld [smem:$0x3F9E]  }
0x1a: {  	s8 =	sadd.s32 $0xFFFFE003, lr  }
0x1b: {  	s9 =	sadd.s32 $0xFFFFFEF7, lr;
	s5 =	simm.s32 $0xFFFFFFFF;
	p2 =	slt.u32 s8, $0xFFFFF086  }
0x1c: {  	p1 =	slt.u32 s9, $0xF7A;
	s5 =	simm.s32 @!p2 $0x0  }
0x1d: {  	s5 =	simm.s32 @p1 $0x1;
	p0 =	seq.s32 s7, s2  }
0x1e: {  	s7 =	smul.u32 @!p0 $0xF7A, s2;
	p2 =	seq.s32 @!p0 s5, $0x0  }
0x1f: {  	s9 =	smul.u32 $0xF7A, s1;
	s8 =	simm.s32 @!p0 $0x1BF5;
	p2 =	por !p2, p0  }
0x20: {  	[sflag:s8] =	ssyncset.s32 @!p0 $0xFFFFF086;
	s6 =	sadd.s32 @!p0 s3, s7;
	s7 =	simm.s32 @!p0 $0x108  }
0x21: {  	s3 =	sadd.s32 s3, s9;
	s6 =	sadd.s32 @!p0 $0x88, s6;
	s7 =	simm.s32 @p2 $0x1082  }
0x22: {  	[simem:s7], [sflag:s8] =	dma.local @!p0 [hbm:s6], $0xF7A  }
0x23: {  	s9 =	sor.u32 $0xD0000000, s2;
	s6 =	simm.s32 $0x108;
	_ =	swait.ge @!p0 [sflag:s8], $0x0  }
0x24: {  	s3 =	sadd.s32 $0x88, s3;
	s6 =	simm.s32 @!p1 $0x1082;
	[sflag:s4] =	ssyncset.s32 $0xFFFFF086  }
0x25: {  	[simem:s6], [sflag:s4] =	dma.local [hbm:s3], $0xF7A  }
0x26: {  	[smem:$0x3F9E] =	sst s1;
	(tag) =	ssettag s2;
	_ =	strace s9  }
0x27: {  	s1 =	sld [smem:$0x3FAE]  }
0x28: {  	s2 =	sld [smem:$0x3FAF]  }
0x29: {  	s4 =	sld [smem:$0x3FB1]  }
0x2a: {  	p0 =	seq.s32 s5, $0x0;
	s5 =	sld [smem:$0x3FB2]  }
0x2b: {  	s6 =	sld [smem:$0x3FB3]  }
0x2c: {  	s7 =	sld [smem:$0x3FB4]  }
0x2d: {  	s3 =	simm.s32 $0x108;
	s8 =	sld [smem:$0x3FB5]  }
0x2e: {  	s3 =	simm.s32 @!p0 $0x1082;
	s9 =	sld [smem:$0x3FB6]  }
0x2f: {  	lr =	sadd.s32 s0, s3;
	s0 =	sld [smem:$0x3FAD]  }
0x30: {  	s3 =	sld [smem:$0x3FB0]  }
0x31: {  	[smem:$0x3FB9] =	sst s10  }
0x32: {  	s10 =	sld [smem:$0x3FB7];
	_ =	sdelay $0x3  }
0x33: {  	p0 =	seq.s32 s10, $0x1;
	s10 =	sld [smem:$0x3FB9];
	_ =	sdelay $0x3  }
0x34: {  	[smem:$0x3FB9] =	sst s10  }
0x35: {  	s10 =	sld [smem:$0x3FB8];
	_ =	sdelay $0x3  }
0x36: {  	p1 =	seq.s32 s10, $0x1;
	s10 =	sld [smem:$0x3FB9];
	_ =	sdelay $0x3  }
0x37: {  	[smem:$0x3FB9] =	sst s10  }
0x38: {  	s10 =	sld [smem:$0x3FBA]  }
0x39: {  	_ = 	snop;
	(pc) =	sbr.ind lr, $3  }
0x3a: {  	_ = 	snop  }
0x3b: {  	_ = 	snop  }
0x3c: {  	p2 =	seq.s32 s10, $0x1;
	s10 =	sld [smem:$0x3FB9]  }
0x3d: {  	_ =	shalt  }
0x3e: {  	_ =	shalt  }
0x3f: {  	_ =	shalt  }
0x40: {  	_ =	shalt  }
0x41: {  	_ =	shalt  }
0x42: {  	_ =	shalt  }
0x43: {  	_ =	shalt  }
0x44: {  	_ =	shalt  }
0x45: {  	_ =	shalt  }
0x46: {  	_ =	shalt  }
0x47: {  	_ =	shalt  }
0x48: {  	_ =	shalt  }
0x49: {  	_ =	shalt  }
0x4a: {  	_ =	shalt  }
0x4b: {  	_ =	shalt  }
0x4c: {  	_ =	shalt  }
0x4d: {  	_ =	shalt  }
0x4e: {  	_ =	shalt  }
0x4f: {  	_ =	shalt  }
0x50: {  	_ =	shalt  }
0x51: {  	_ =	shalt  }
0x52: {  	_ =	shalt  }
0x53: {  	_ =	shalt  }
0x54: {  	_ =	shalt  }
0x55: {  	_ =	shalt  }
0x56: {  	_ =	shalt  }
0x57: {  	_ =	shalt  }
0x58: {  	_ =	shalt  }
0x59: {  	_ =	shalt  }
0x5a: {  	_ =	shalt  }
0x5b: {  	_ =	shalt  }
0x5c: {  	_ =	shalt  }
0x5d: {  	_ =	shalt  }
0x5e: {  	_ =	shalt  }
0x5f: {  	_ =	shalt  }
0x60: {  	_ =	shalt  }
0x61: {  	_ =	shalt  }
0x62: {  	_ =	shalt  }
0x63: {  	_ =	shalt  }
0x64: {  	_ =	shalt  }
0x65: {  	_ =	shalt  }
0x66: {  	_ =	shalt  }
0x67: {  	_ =	shalt  }
0x68: {  	_ =	shalt  }
0x69: {  	_ =	shalt  }
0x6a: {  	_ =	shalt  }
0x6b: {  	_ =	shalt  }
0x6c: {  	_ =	shalt  }
0x6d: {  	_ =	shalt  }
0x6e: {  	_ =	shalt  }
0x6f: {  	_ =	shalt  }
0x70: {  	_ =	shalt  }
0x71: {  	_ =	shalt  }
0x72: {  	_ =	shalt  }
0x73: {  	_ =	shalt  }
0x74: {  	_ =	shalt  }
0x75: {  	_ =	shalt  }
0x76: {  	_ =	shalt  }
0x77: {  	_ =	shalt  }
0x78: {  	_ =	shalt  }
0x79: {  	_ =	shalt  }
0x7a: {  	_ =	shalt  }
0x7b: {  	_ =	shalt  }
0x7c: {  	_ =	shalt  }
0x7d: {  	_ =	shalt  }
0x7e: {  	_ =	shalt  }
0x7f: {  	_ =	shalt  }
0x80: {  	_ =	shalt  }
0x81: {  	_ =	shalt  }
0x82: {  	_ =	shalt  }
0x83: {  	_ =	shalt  }
0x84: {  	_ =	shalt  }
0x85: {  	_ =	shalt  }
0x86: {  	_ =	shalt  }
0x87: {  	_ =	shalt  }
.Lfunc_end0:
.L_simem_size_0:
called_computation_lowered:
.L_overlay_start_0:
0x88: {  	s2 =	sld [smem:$0x3FD9]  }
0x89: {  	s3 =	sld [smem:$0x3FFE];
	_ =	sdelay $0x1  }
0x8a: {  	s1 =	srdreg.scid  }
0x8b: {  	s0 =	sand.u32 $0x1, s1  }
0x8c: {  	s17 =	sshll.u32 s0, $0xA;
	s2 =	sadd.s32 s3, s2  }
0x8d: {  	s2 =	sadd.s32 s2, s17  }
0x8e: {  	[smem:$0x3FC5] =	sst s2  }
0x8f: {  	_ = 	snop  }
0x90: {  	s2 =	sld [smem:$0x3FD0];
	(tm) =	ssettm $0x1  }
0x91: {  	s18 =	sld [smem:$0x3FFB];
	_ =	sdelay $0x3  }
0x92: {  	_ =	strace s18  }
0x93: {  	s3 =	sld [smem:$0x3FFC];
	_ =	sdelay $0x3  }
0x94: {  	_ =	strace s3  }
0x95: {  	s3 =	sld [smem:$0x3FFD];
	_ =	sdelay $0x3  }
0x96: {  	_ =	strace s3  }
0x97: {  	_ =	strace $0x8FFFFFFF  }
0x98: {  	s19 =	sld [smem:$0x3FDB];
	_ =	sdelay $0x1  }
0x99: {  	s4 =	simm.s32 $_scs_section_size  }
0x9a: {  	s5 =	simm.s32 $_size__tile_overlayer_lowered;
	s6 =	simm.s32 $_tile_overlayer_lowered  }
0x9b: {  	s22 =	simm.s32 $0x1BFF;
	s21 =	sshll.u32 s6, $0x1;
	s3 =	sadd.s32 s4, s19  }
0x9c: {  	s7 =	simm.s32 $0x0;
	s20 =	sshll.u32 s5, $0x1;
	s5 =	sadd.s32 s21, s3  }
0x9d: {  	[timem:s7], [sflag:s22] =	dma.local [hbm:s5], s20  }
0x9e: {  	_ =	swait.ge [sflag:s22], s20  }
0x9f: {  	s4 =	ssub.s32 $0x0, s20;
	[sflag:s22] =	ssyncset.done $0x0  }
0xa0: {  	[sflag:s22] =	ssyncadd.s32 s4;
	_ =	sdelay $0x1  }
0xa1: {  	s23 =	simm.s32 $0x1B8B  }
0xa2: {  	_ =	swait.ge [sflag:s23], $0x1  }
0xa3: {  	[sflag:s23] =	ssyncset.done $0x0  }
0xa4: {  	s25 =	simm.s32 $0x1B8E;
	s24 =	sld [smem:$0x3FFE];
	[sflag:s23] =	ssyncadd.s32 $0xFFFFFFFF  }
0xa5: {  	s26 =	simm.s32 $execute0_lowered;
	[smem:$0x3FD2] =	sst s25  }
0xa6: {  	s5 =	sshll.u32 s26, $0x1;
	_ =	strace $0x80000046;
	[dreg:$0x1] =	wrdreg $0xFFFFFFFF  }
0xa7: {  	s28 =	simm.s32 $_size_execute0_lowered;
	s3 =	sadd.s32 s3, s5;
	[dreg:$0x0] =	wrdreg $0x0  }
0xa8: {  	s5 =	sshll.u32 s28, $0x1;
	[dreg:$0x2] =	wrdreg s3  }
0xa9: {  	[dreg:$0x3] =	wrdreg s5  }
0xaa: {  	[dreg:$0x4] =	wrdreg $0xC0  }
0xab: {  	_ =	task [dreg:s7], $0x5FFFF  }
0xac: {  	[dreg:$0x1] =	wrdreg $0xFFFFFFFF  }
0xad: {  	[dreg:$0x0] =	wrdreg $0x60  }
0xae: {  	[dreg:$0x2] =	wrdreg s2  }
0xaf: {  	[dreg:$0x3] =	wrdreg s24  }
0xb0: {  	[dreg:$0x4] =	wrdreg $0x9  }
0xb1: {  	_ =	task.clear_ibuf [dreg:s7], $0x5FFFF;
	_ =	strace $0x90000046  }
0xb2: {  	s29 =	simm.s32 $0x9;
	_ =	strace $0x80000048  }
0xb3: {  	_ =	swait.ge [sflag:s29], $0x1  }
0xb4: {  	[sflag:s29] =	ssyncadd.s32 $0xFFFFFFFF  }
0xb5: {  	_ =	strace $0x90000048  }
0xb6: {  	_ =	sfence  }
0xb7: {  	s30 =	sld [smem:$0x0];
	_ =	sdelay $0x2  }
0xb8: {  	s31 =	sshll.u32 s1, $0xD;
	s1 =	sshrl.u32 s1, $0x2  }
0xb9: {  	s3 =	sand.u32 $0x4000, s31;
	s1 =	sadd.s32 s1, s30  }
0xba: {  	s0 =	sor.u32 s3, s0;
	s1 =	sshll.u32 s1, $0x11  }
0xbb: {  	s0 =	sor.u32 s1, s0  }
0xbc: {  	s0 =	sadd.s32 $0x8F2B, s0  }
0xbd: {  	[sflag:s0] =	ssyncadd.remote.s32 $0x1  }
0xbe: {  	_ =	sfence.sel $0xFFFF  }
0xbf: {  	[dreg:$0x0] =	wrdreg $0xFFFFFFFF;
	(pc) =	sbr.abs _section_cstart, $3  }
0xc0: {  	[dreg:$0x1] =	wrdreg $0xFFFFFFFF  }
0xc1: {  	_ =	task.clear_ibuf [dreg:s7], $0x2FFFF;
	_ =	strace $0x9FFFFFFF  }
0xc2: {  	(tm) =	ssettm $0x7FFFFFFF  }
0xc3: {  	_ =	shalt  }
tec
execute0_lowered:
.L_overlay_start_1:
0x0: {  	(tag) =	ssettag $0x1  }
0x1: {  	s2 =	rddreg [dreg:$0x0];
	s0 =	srdreg.scid  }
0x2: {  	s10 =	stileid.u32;
	s1 =	rddreg [dreg:$0x1]  }
0x3: {  	s3 =	simm.s32 $0x0;
	s11 =	simm.s32 $0x80;
	s12 =	simm.s32 $0x800  }
0x4: {  	s19 =	simm.s32 $0x4800;
	s20 =	simm.s32 $0x280;
	s21 =	simm.s32 $0x5800  }
0x5: {  	s22 =	simm.s32 $0x300;
	s23 =	simm.s32 $0x6800;
	s24 =	simm.s32 $0x380  }
0x6: {  	s25 =	simm.s32 $0x7800;
	s26 =	simm.s32 $0x2;
	s9 =	smul.u32 $0x640000, s10  }
0x7: {  	s0 =	sand.u32 $0x1, s0;
	s4 =	sshll.u32 s10, $0x1;
	s10 =	smul.u32 $0xC800, s10  }
0x8: {  	s28 =	simm.s32 $0x20;
	s29 =	simm.s32 $0x3;
	s31 =	smul.u32 $0x320000, s0  }
0x9: {  	s4 =	sor.u32 s0, s4;
	s6 =	ssub.s32 $0x2, s0;
	s0 =	smul.u32 $0x6400, s0  }
0xa: {  	s30 =	simm.s32 $0x0;
	[smem:$0x7FF] =	sst s3;
	s5 =	smul.u32 $0x6400, s4  }
0xb: {  	_ =	strace $0x80000047;
	s7 =	smul.u32 $0x320000, s4;
	s8 =	sshrl.u32 s6, $0x1  }
0xc: {  	s4 =	sadd.s32 $0xF42E00, s1;
	s1 =	sadd.s32 $0x800, s1;
	s8 =	ssub.s32 s6, s8  }
0xd: {  	s9 =	sadd.s32 s31, s9;
	s0 =	sadd.s32 s0, s10;
	s7 =	sshrl.u32 s7, $0x3  }
0xe: {  	s10 =	simm.s32 $0x1;
	s5 =	sshrl.u32 s5, $0x3;
	s7 =	sadd.s32 s1, s7  }
0xf: {  	s9 =	sshrl.u32 s9, $0x3;
	s5 =	sadd.s32 s2, s5;
	s6 =	sadd.s32 $0x60000, s7  }
0x10: {  	s7 =	smax.u32 s8, $0x1;
	s8 =	sadd.s32 s9, s1;
	s9 =	sadd.s32 $0x400, s0  }
.LBB2_1:
0x11: {  	[tilespmem:s3], [sflag:$0x1] =	stream.linear.gather [hbm4b:s5+s3], $0x400, $0x38;
	[tilespmem:$0x10800] =	vst v63  }
0x12: {  	_ =	swait.ge [sflag:s10], $0x400  }
0x13: {  	[sflag:s10] =	ssyncset.done $0x0  }
0x14: {  	[sflag:s10] =	ssyncadd.s32 $0xFFFFFC00  }
0x15: {  	[tilespmem:s12], [sflag:$0x2] =	stream.indirect.gather [hbm4b:s4+s11], $0x20, s3, s11, $0xb8;
	[tilespmem:$0x10800] =	vst v63  }
0x16: {  	s0 =	simm.s32 $0x1800  }
0x17: {  	[tilespmem:s0], [sflag:$0x2] =	stream.indirect.gather [hbm4b:s4+s11], $0x20, s11, s11, $0xb8;
	[tilespmem:$0x10800] =	vst v63  }
0x18: {  	s18 =	simm.s32 $0x100;
	s1 =	simm.s32 $0x2800  }
0x19: {  	[tilespmem:s1], [sflag:$0x2] =	stream.indirect.gather [hbm4b:s4+s11], $0x20, s18, s11, $0xb8;
	[tilespmem:$0x10800] =	vst v63  }
0x1a: {  	s13 =	simm.s32 $0x3800;
	s1 =	simm.s32 $0x180  }
0x1b: {  	[tilespmem:s13], [sflag:$0x2] =	stream.indirect.gather [hbm4b:s4+s11], $0x20, s1, s11, $0xb8;
	[tilespmem:$0x10800] =	vst v63  }
0x1c: {  	s14 =	simm.s32 $0x200  }
0x1d: {  	[tilespmem:s19], [sflag:$0x2] =	stream.indirect.gather [hbm4b:s4+s11], $0x20, s14, s11, $0xb8;
	[tilespmem:$0x10800] =	vst v63  }
0x1e: {  	_ = 	snop  }
0x1f: {  	[tilespmem:s21], [sflag:$0x2] =	stream.indirect.gather [hbm4b:s4+s11], $0x20, s20, s11, $0xb8;
	[tilespmem:$0x10800] =	vst v63  }
0x20: {  	_ = 	snop  }
0x21: {  	[tilespmem:s23], [sflag:$0x2] =	stream.indirect.gather [hbm4b:s4+s11], $0x20, s22, s11, $0xb8;
	[tilespmem:$0x10800] =	vst v63  }
0x22: {  	_ = 	snop  }
0x23: {  	[tilespmem:s25], [sflag:$0x2] =	stream.indirect.gather [hbm4b:s4+s11], $0x20, s24, s11, $0xb8;
	[tilespmem:$0x10800] =	vst v63  }
0x24: {  	_ =	swait.ge [sflag:s26], $0x1000  }
0x25: {  	[sflag:s26] =	ssyncset.done $0x0  }
0x26: {  	[sflag:s26] =	ssyncadd.s32 $0xFFFFF000  }
0x27: {  	_ =	swait.ge [sflag:s26], $0x1000  }
0x28: {  	[sflag:s26] =	ssyncset.done $0x0  }
0x29: {  	[sflag:s26] =	ssyncadd.s32 $0xFFFFF000  }
0x2a: {  	_ =	swait.ge [sflag:s26], $0x1000  }
0x2b: {  	[sflag:s26] =	ssyncset.done $0x0  }
0x2c: {  	[sflag:s26] =	ssyncadd.s32 $0xFFFFF000  }
0x2d: {  	_ =	swait.ge [sflag:s26], $0x1000  }
0x2e: {  	[sflag:s26] =	ssyncset.done $0x0  }
0x2f: {  	[sflag:s26] =	ssyncadd.s32 $0xFFFFF000  }
0x30: {  	_ =	swait.ge [sflag:s26], $0x1000  }
0x31: {  	[sflag:s26] =	ssyncset.done $0x0  }
0x32: {  	[sflag:s26] =	ssyncadd.s32 $0xFFFFF000  }
0x33: {  	_ =	swait.ge [sflag:s26], $0x1000  }
0x34: {  	[sflag:s26] =	ssyncset.done $0x0  }
0x35: {  	[sflag:s26] =	ssyncadd.s32 $0xFFFFF000  }
0x36: {  	_ =	swait.ge [sflag:s26], $0x1000  }
0x37: {  	[sflag:s26] =	ssyncset.done $0x0  }
0x38: {  	[sflag:s26] =	ssyncadd.s32 $0xFFFFF000  }
0x39: {  	s0 =	sand.u32 $0x1, s3;
	_ =	swait.ge [sflag:s26], $0x1000  }
0x3a: {  	s15 =	sshrl.u32 s9, $0x3;
	s13 =	sxor.u32 $0x1, s0;
	[sflag:s26] =	ssyncset.done $0x0  }
0x3b: {  	s1 =	sadd.s32 s2, s15;
	s14 =	sshll.u32 s13, $0xA;
	[sflag:s26] =	ssyncadd.s32 $0xFFFFF000  }
0x3c: {  	[tilespmem:s14], [sflag:$0x1] =	stream.linear.gather [hbm4b:s1+s3], $0x400, $0x38;
	[tilespmem:$0x10800] =	vst v63  }
0x3d: {  	_ =	swait.ge [sflag:s10], $0x400  }
0x3e: {  	s1 =	sshll.u32 s13, $0xF;
	[sflag:s10] =	ssyncset.done $0x0  }
0x3f: {  	s13 =	sor.u32 $0x800, s1;
	[sflag:s10] =	ssyncadd.s32 $0xFFFFFC00  }
0x40: {  	[tilespmem:s13], [sflag:$0x2] =	stream.indirect.gather [hbm4b:s4+s11], $0x20, s14, s11, $0xb8;
	[tilespmem:$0x10800] =	vst v63  }
0x41: {  	s15 =	sor.u32 $0x80, s14;
	s16 =	sor.u32 $0x1800, s1  }
0x42: {  	[tilespmem:s16], [sflag:$0x2] =	stream.indirect.gather [hbm4b:s4+s11], $0x20, s15, s11, $0xb8;
	[tilespmem:$0x10800] =	vst v63  }
0x43: {  	s18 =	sor.u32 $0x100, s14;
	s17 =	sor.u32 $0x2800, s1  }
0x44: {  	[tilespmem:s17], [sflag:$0x2] =	stream.indirect.gather [hbm4b:s4+s11], $0x20, s18, s11, $0xb8;
	[tilespmem:$0x10800] =	vst v63  }
0x45: {  	s15 =	sor.u32 $0x3800, s1;
	s16 =	sor.u32 $0x180, s14  }
0x46: {  	[tilespmem:s15], [sflag:$0x2] =	stream.indirect.gather [hbm4b:s4+s11], $0x20, s16, s11, $0xb8;
	[tilespmem:$0x10800] =	vst v63  }
0x47: {  	s17 =	sor.u32 $0x4800, s1;
	s18 =	sor.u32 $0x200, s14  }
0x48: {  	[tilespmem:s17], [sflag:$0x2] =	stream.indirect.gather [hbm4b:s4+s11], $0x20, s18, s11, $0xb8;
	[tilespmem:$0x10800] =	vst v63  }
0x49: {  	s15 =	sor.u32 $0x5800, s1;
	s16 =	sor.u32 $0x280, s14  }
0x4a: {  	[tilespmem:s15], [sflag:$0x2] =	stream.indirect.gather [hbm4b:s4+s11], $0x20, s16, s11, $0xb8;
	[tilespmem:$0x10800] =	vst v63  }
0x4b: {  	s17 =	sor.u32 $0x6800, s1;
	s18 =	sor.u32 $0x300, s14  }
0x4c: {  	[tilespmem:s17], [sflag:$0x2] =	stream.indirect.gather [hbm4b:s4+s11], $0x20, s18, s11, $0xb8;
	[tilespmem:$0x10800] =	vst v63  }
0x4d: {  	s0 =	sshll.u32 s0, $0xF;
	s1 =	sor.u32 $0x7800, s1;
	s16 =	sor.u32 $0x380, s14  }
0x4e: {  	[tilespmem:s1], [sflag:$0x2] =	stream.indirect.gather [hbm4b:s4+s11], $0x20, s16, s11, $0xb8;
	[tilespmem:$0x10800] =	vst v63  }
0x4f: {  	s0 =	sor.u32 $0x800, s0  }
0x50: {  	[hbm4b:s8+s28] =	stream.strided.scatter [tilespmem:s0], [sflag:$0x3], $0x8000, s11, s28, $0x38;
	[tilespmem:$0x10800] =	vst v63  }
0x51: {  	_ =	swait.ge [sflag:s29], $0x8000  }
0x52: {  	[sflag:s29] =	ssyncset.done $0x0  }
0x53: {  	[sflag:s29] =	ssyncadd.s32 $0xFFFF8000  }
0x54: {  	_ =	swait.ge [sflag:s26], $0x1000  }
0x55: {  	[sflag:s26] =	ssyncset.done $0x0  }
0x56: {  	[sflag:s26] =	ssyncadd.s32 $0xFFFFF000  }
0x57: {  	_ =	swait.ge [sflag:s26], $0x1000  }
0x58: {  	[sflag:s26] =	ssyncset.done $0x0  }
0x59: {  	[sflag:s26] =	ssyncadd.s32 $0xFFFFF000  }
0x5a: {  	_ =	swait.ge [sflag:s26], $0x1000  }
0x5b: {  	[sflag:s26] =	ssyncset.done $0x0  }
0x5c: {  	[sflag:s26] =	ssyncadd.s32 $0xFFFFF000  }
0x5d: {  	_ =	swait.ge [sflag:s26], $0x1000  }
0x5e: {  	[sflag:s26] =	ssyncset.done $0x0  }
0x5f: {  	[sflag:s26] =	ssyncadd.s32 $0xFFFFF000  }
0x60: {  	_ =	swait.ge [sflag:s26], $0x1000  }
0x61: {  	[sflag:s26] =	ssyncset.done $0x0  }
0x62: {  	[sflag:s26] =	ssyncadd.s32 $0xFFFFF000  }
0x63: {  	_ =	swait.ge [sflag:s26], $0x1000  }
0x64: {  	[sflag:s26] =	ssyncset.done $0x0  }
0x65: {  	[sflag:s26] =	ssyncadd.s32 $0xFFFFF000  }
0x66: {  	_ =	swait.ge [sflag:s26], $0x1000  }
0x67: {  	s31 =	sadd.s32 $0x4000, s8;
	s17 =	simm.s32 $0x1;
	[sflag:s26] =	ssyncset.done $0x0  }
0x68: {  	s18 =	sand.u32 $0x1, s17;
	s1 =	simm.s32 $0x2;
	[sflag:s26] =	ssyncadd.s32 $0xFFFFF000  }
0x69: {  	s15 =	sxor.u32 $0x1, s18;
	s0 =	sadd.s32 $0x400, s9;
	_ =	swait.ge [sflag:s26], $0x1000  }
0x6a: {  	s14 =	sshll.u32 s18, $0xF;
	s13 =	sshrl.u32 s0, $0x3;
	[sflag:s26] =	ssyncset.done $0x0  }
.LBB2_2:
0x6b: {  	s16 =	sshll.u32 s15, $0xA  }
0x6c: {  	s17 =	sadd.s32 s2, s13;
	[sflag:s26] =	ssyncadd.s32 $0xFFFFF000;
	s13 =	smov.u32 s1  }
0x6d: {  	[tilespmem:s16], [sflag:$0x1] =	stream.linear.gather [hbm4b:s17+s3], $0x400, $0x38;
	[tilespmem:$0x10800] =	vst v63  }
0x6e: {  	p0 =	sne.s32 s1, $0x17;
	s1 =	sadd.s32 $0x1, s1;
	_ =	swait.ge [sflag:s10], $0x400  }
0x6f: {  	s15 =	sshll.u32 s15, $0xF;
	[sflag:s10] =	ssyncset.done $0x0  }
0x70: {  	s17 =	sor.u32 $0x800, s15;
	[sflag:s10] =	ssyncadd.s32 $0xFFFFFC00  }
0x71: {  	[tilespmem:s17], [sflag:$0x2] =	stream.indirect.gather [hbm4b:s4+s11], $0x20, s16, s11, $0xb8;
	[tilespmem:$0x10800] =	vst v63  }
0x72: {  	s18 =	sor.u32 $0x80, s16;
	s17 =	sor.u32 $0x1800, s15  }
0x73: {  	[tilespmem:s17], [sflag:$0x2] =	stream.indirect.gather [hbm4b:s4+s11], $0x20, s18, s11, $0xb8;
	[tilespmem:$0x10800] =	vst v63  }
0x74: {  	s17 =	sor.u32 $0x2800, s15;
	s18 =	sor.u32 $0x100, s16  }
0x75: {  	[tilespmem:s17], [sflag:$0x2] =	stream.indirect.gather [hbm4b:s4+s11], $0x20, s18, s11, $0xb8;
	[tilespmem:$0x10800] =	vst v63  }
0x76: {  	s17 =	sor.u32 $0x3800, s15;
	s18 =	sor.u32 $0x180, s16  }
0x77: {  	[tilespmem:s17], [sflag:$0x2] =	stream.indirect.gather [hbm4b:s4+s11], $0x20, s18, s11, $0xb8;
	[tilespmem:$0x10800] =	vst v63  }
0x78: {  	s17 =	sor.u32 $0x4800, s15;
	s18 =	sor.u32 $0x200, s16  }
0x79: {  	[tilespmem:s17], [sflag:$0x2] =	stream.indirect.gather [hbm4b:s4+s11], $0x20, s18, s11, $0xb8;
	[tilespmem:$0x10800] =	vst v63  }
0x7a: {  	s17 =	sor.u32 $0x5800, s15;
	s18 =	sor.u32 $0x280, s16  }
0x7b: {  	[tilespmem:s17], [sflag:$0x2] =	stream.indirect.gather [hbm4b:s4+s11], $0x20, s18, s11, $0xb8;
	[tilespmem:$0x10800] =	vst v63  }
0x7c: {  	s17 =	sor.u32 $0x6800, s15;
	s18 =	sor.u32 $0x300, s16  }
0x7d: {  	[tilespmem:s17], [sflag:$0x2] =	stream.indirect.gather [hbm4b:s4+s11], $0x20, s18, s11, $0xb8;
	[tilespmem:$0x10800] =	vst v63  }
0x7e: {  	s15 =	sor.u32 $0x7800, s15;
	s16 =	sor.u32 $0x380, s16  }
0x7f: {  	[tilespmem:s15], [sflag:$0x2] =	stream.indirect.gather [hbm4b:s4+s11], $0x20, s16, s11, $0xb8;
	[tilespmem:$0x10800] =	vst v63  }
0x80: {  	s14 =	sor.u32 $0x800, s14  }
0x81: {  	[hbm4b:s31+s28] =	stream.strided.scatter [tilespmem:s14], [sflag:$0x3], $0x8000, s11, s28, $0x38;
	[tilespmem:$0x10800] =	vst v63  }
0x82: {  	_ =	swait.ge [sflag:s29], $0x8000  }
0x83: {  	[sflag:s29] =	ssyncset.done $0x0  }
0x84: {  	[sflag:s29] =	ssyncadd.s32 $0xFFFF8000  }
0x85: {  	_ =	swait.ge [sflag:s26], $0x1000  }
0x86: {  	[sflag:s26] =	ssyncset.done $0x0  }
0x87: {  	[sflag:s26] =	ssyncadd.s32 $0xFFFFF000  }
0x88: {  	_ =	swait.ge [sflag:s26], $0x1000  }
0x89: {  	[sflag:s26] =	ssyncset.done $0x0  }
0x8a: {  	[sflag:s26] =	ssyncadd.s32 $0xFFFFF000  }
0x8b: {  	_ =	swait.ge [sflag:s26], $0x1000  }
0x8c: {  	[sflag:s26] =	ssyncset.done $0x0  }
0x8d: {  	[sflag:s26] =	ssyncadd.s32 $0xFFFFF000  }
0x8e: {  	_ =	swait.ge [sflag:s26], $0x1000  }
0x8f: {  	[sflag:s26] =	ssyncset.done $0x0  }
0x90: {  	[sflag:s26] =	ssyncadd.s32 $0xFFFFF000  }
0x91: {  	_ =	swait.ge [sflag:s26], $0x1000  }
0x92: {  	[sflag:s26] =	ssyncset.done $0x0  }
0x93: {  	[sflag:s26] =	ssyncadd.s32 $0xFFFFF000  }
0x94: {  	_ =	swait.ge [sflag:s26], $0x1000  }
0x95: {  	[sflag:s26] =	ssyncset.done $0x0  }
0x96: {  	[sflag:s26] =	ssyncadd.s32 $0xFFFFF000  }
.Ltmp0:
0x97: {  	_ =	swait.ge [sflag:s26], $0x1000;
	(pc) =	sbr.rel @p0 .LBB2_2-.Ltmp0, $4  }
0x98: {  	[sflag:s26] =	ssyncset.done $0x0  }
0x99: {  	s0 =	sadd.s32 $0x400, s0;
	s31 =	sadd.s32 $0x4000, s31;
	[sflag:s26] =	ssyncadd.s32 $0xFFFFF000  }
0x9a: {  	s14 =	sand.u32 $0x1, s13;
	s13 =	sshrl.u32 s0, $0x3;
	_ =	swait.ge [sflag:s26], $0x1000  }
0x9b: {  	s15 =	sxor.u32 $0x1, s14;
	s14 =	sshll.u32 s14, $0xF;
	[sflag:s26] =	ssyncset.done $0x0  }
0x9c: {  	s0 =	sshll.u32 s15, $0xA;
	s1 =	sadd.s32 s2, s13;
	[sflag:s26] =	ssyncadd.s32 $0xFFFFF000  }
0x9d: {  	[tilespmem:s0], [sflag:$0x1] =	stream.linear.gather [hbm4b:s1+s3], $0x400, $0x38;
	[tilespmem:$0x10800] =	vst v63  }
0x9e: {  	_ =	swait.ge [sflag:s10], $0x400  }
0x9f: {  	s1 =	sshll.u32 s15, $0xF;
	[sflag:s10] =	ssyncset.done $0x0  }
0xa0: {  	s16 =	sor.u32 $0x800, s1;
	[sflag:s10] =	ssyncadd.s32 $0xFFFFFC00  }
0xa1: {  	[tilespmem:s16], [sflag:$0x2] =	stream.indirect.gather [hbm4b:s4+s11], $0x20, s0, s11, $0xb8;
	[tilespmem:$0x10800] =	vst v63  }
0xa2: {  	s18 =	sor.u32 $0x80, s0;
	s17 =	sor.u32 $0x1800, s1  }
0xa3: {  	[tilespmem:s17], [sflag:$0x2] =	stream.indirect.gather [hbm4b:s4+s11], $0x20, s18, s11, $0xb8;
	[tilespmem:$0x10800] =	vst v63  }
0xa4: {  	s15 =	sor.u32 $0x2800, s1;
	s16 =	sor.u32 $0x100, s0  }
0xa5: {  	[tilespmem:s15], [sflag:$0x2] =	stream.indirect.gather [hbm4b:s4+s11], $0x20, s16, s11, $0xb8;
	[tilespmem:$0x10800] =	vst v63  }
0xa6: {  	s17 =	sor.u32 $0x3800, s1;
	s18 =	sor.u32 $0x180, s0  }
0xa7: {  	[tilespmem:s17], [sflag:$0x2] =	stream.indirect.gather [hbm4b:s4+s11], $0x20, s18, s11, $0xb8;
	[tilespmem:$0x10800] =	vst v63  }
0xa8: {  	s15 =	sor.u32 $0x4800, s1;
	s16 =	sor.u32 $0x200, s0  }
0xa9: {  	[tilespmem:s15], [sflag:$0x2] =	stream.indirect.gather [hbm4b:s4+s11], $0x20, s16, s11, $0xb8;
	[tilespmem:$0x10800] =	vst v63  }
0xaa: {  	s17 =	sor.u32 $0x5800, s1;
	s18 =	sor.u32 $0x280, s0  }
0xab: {  	[tilespmem:s17], [sflag:$0x2] =	stream.indirect.gather [hbm4b:s4+s11], $0x20, s18, s11, $0xb8;
	[tilespmem:$0x10800] =	vst v63  }
0xac: {  	s16 =	sor.u32 $0x6800, s1;
	s17 =	sor.u32 $0x300, s0  }
0xad: {  	[tilespmem:s16], [sflag:$0x2] =	stream.indirect.gather [hbm4b:s4+s11], $0x20, s17, s11, $0xb8;
	[tilespmem:$0x10800] =	vst v63  }
0xae: {  	s1 =	sor.u32 $0x7800, s1;
	s0 =	sor.u32 $0x380, s0  }
0xaf: {  	[tilespmem:s1], [sflag:$0x2] =	stream.indirect.gather [hbm4b:s4+s11], $0x20, s0, s11, $0xb8;
	[tilespmem:$0x10800] =	vst v63  }
0xb0: {  	s18 =	sor.u32 $0x800, s14  }
0xb1: {  	[hbm4b:s31+s28] =	stream.strided.scatter [tilespmem:s18], [sflag:$0x3], $0x8000, s11, s28, $0x38;
	[tilespmem:$0x10800] =	vst v63  }
0xb2: {  	_ =	swait.ge [sflag:s29], $0x8000  }
0xb3: {  	[sflag:s29] =	ssyncset.done $0x0  }
0xb4: {  	[sflag:s29] =	ssyncadd.s32 $0xFFFF8000  }
0xb5: {  	_ =	swait.ge [sflag:s26], $0x1000  }
0xb6: {  	[sflag:s26] =	ssyncset.done $0x0  }
0xb7: {  	[sflag:s26] =	ssyncadd.s32 $0xFFFFF000  }
0xb8: {  	_ =	swait.ge [sflag:s26], $0x1000  }
0xb9: {  	[sflag:s26] =	ssyncset.done $0x0  }
0xba: {  	[sflag:s26] =	ssyncadd.s32 $0xFFFFF000  }
0xbb: {  	_ =	swait.ge [sflag:s26], $0x1000  }
0xbc: {  	[sflag:s26] =	ssyncset.done $0x0  }
0xbd: {  	[sflag:s26] =	ssyncadd.s32 $0xFFFFF000  }
0xbe: {  	_ =	swait.ge [sflag:s26], $0x1000  }
0xbf: {  	[sflag:s26] =	ssyncset.done $0x0  }
0xc0: {  	[sflag:s26] =	ssyncadd.s32 $0xFFFFF000  }
0xc1: {  	_ =	swait.ge [sflag:s26], $0x1000  }
0xc2: {  	[sflag:s26] =	ssyncset.done $0x0  }
0xc3: {  	[sflag:s26] =	ssyncadd.s32 $0xFFFFF000  }
0xc4: {  	_ =	swait.ge [sflag:s26], $0x1000  }
0xc5: {  	[sflag:s26] =	ssyncset.done $0x0  }
0xc6: {  	[sflag:s26] =	ssyncadd.s32 $0xFFFFF000  }
0xc7: {  	_ =	swait.ge [sflag:s26], $0x1000  }
0xc8: {  	[sflag:s26] =	ssyncset.done $0x0  }
0xc9: {  	[sflag:s26] =	ssyncadd.s32 $0xFFFFF000  }
0xca: {  	s30 =	sadd.s32 $0x1, s30;
	_ =	swait.ge [sflag:s26], $0x1000  }
0xcb: {  	p0 =	sne.s32 s30, s7;
	[sflag:s26] =	ssyncset.done $0x0  }
.Ltmp1:
0xcc: {  	[sflag:s26] =	ssyncadd.s32 $0xFFFFF000;
	(pc) =	sbr.rel @p0 .LBB2_1-.Ltmp1, $4  }
0xcd: {  	[hbm4b:s6+s28] =	stream.strided.scatter [tilespmem:s12], [sflag:$0x3], $0x8000, s11, s28, $0x38;
	[tilespmem:$0x10800] =	vst v63  }
0xce: {  	_ =	swait.ge [sflag:s29], $0x8000  }
0xcf: {  	[sflag:s29] =	ssyncset.done $0x0  }
0xd0: {  	[sflag:s29] =	ssyncadd.s32 $0xFFFF8000  }
0xd1: {  	_ =	sfence.sel $0x180000  }
0xd2: {  	[bflag:$0x0] =	sbarrier.arrive $0xFFFF  }
0xd3: {  	_ =	strace $0x90000047  }
0xd4: {  	s0 =	stileid.u32;
	[bflag:$0x2] =	sbarrier.arrive $0xFFFF  }
0xd5: {  	p0 =	sne.s32 s0, $0x0;
	s0 =	rddreg [dreg:$0x2]  }
0xd6: {  	s0 =	sadd.s32 @!p0 $0x100000, s0  }
0xd7: {  	[sflag:s0] =	ssyncadd.tile.s32 @!p0 $0x1;
	_ =	shalt  }
.Lfunc_end2:
_tile_overlayer_lowered:
.L_overlay_start_2:
0xd8: {  	(tag) =	ssettag $0x2  }
0xd9: {  	s0 =	rddreg [dreg:$0x0];
	s2 =	stileid.u32  }
0xda: {  	s1 =	rddreg [dreg:$0x1];
	p0 =	sne.s32 s2, $0x0  }
0xdb: {  	s3 =	rddreg [dreg:$0x2];
	[bflag:$0x3] =	sbarrier.arrive $0xFFFF;
	s2 =	simm.s32 @!p0 $0x1C04  }
0xdc: {  	[timem:s3], [sflag:s2] =	dma.local @!p0 [hbm:s0], s1  }
0xdd: {  	s0 =	simm.s32 @!p0 $0x4  }
0xde: {  	_ =	swait.ge @!p0 [sflag:s0], s1  }
0xdf: {  	s1 =	ssub.s32 @!p0 $0x0, s1;
	[sflag:s0] =	ssyncset.done @!p0 $0x0  }
0xe0: {  	[sflag:s0] =	ssyncadd.s32 @!p0 s1  }
0xe1: {  	[bflag:$0x3] =	sbarrier.arrive $0xFFFF  }
0xe2: {  	_ =	shalt  }

</sc_bundles>
